<compile_context>
chip_gen: v7x
topology: tpu7x:2x2x1
jax: 0.10.2.dev20260603
libtpu: 0.0.44.dev20260713+nightly
codegen_flags: <defaults>
</compile_context>

<pallas_src>
import jax
import jax.numpy as jnp
from jax import lax
from jax.experimental import pallas as pl
from jax.experimental.pallas import tpu as pltpu
from jax.experimental.pallas import tpu_sc as plsc

C = 64
K = 512
HW = 512
NS = 16
TPS = K // NS
NCH = TPS // 16
JB = C // 16
LOSS_SCALE = 2.0 / (C * K * C)


def _vq_body(x2d_hbm, et_hbm, out_hbm, loss_hbm,
             xw_v, et_v, et64_v, out_v, stage_v, allst_v, s1s2_v,
             lstage_v, lall_v, lossv_v, idx_v, xfull_v, sem0, sem1, sem2,
             stats_sh, loss_sh):
    core = lax.axis_index("c")
    s = lax.axis_index("s")

    @pl.when(core == 0)
    def _run():
        zero = jnp.zeros((16,), jnp.float32)
        izero = jnp.zeros((16,), jnp.int32)
        iota = lax.iota(jnp.int32, 16)

        cp_xw = pltpu.make_async_copy(
            x2d_hbm.at[:, pl.ds(s * TPS, TPS)], xw_v, sem0)
        cp_xw.start()
        cp_et = pltpu.make_async_copy(
            et_hbm.at[:, pl.ds(s * TPS, TPS)], et_v, sem1)
        cp_et.start()
        cp_e64 = pltpu.make_async_copy(
            et_hbm.at[:, pl.ds(0, C)], et64_v, sem2)
        cp_e64.start()
        cp_xw.wait()

        def a_body(p, carry):
            pv = jnp.full((16,), p, jnp.int32)
            new = list(carry)
            for jb in range(JB):
                v = plsc.load_gather(xw_v, [iota + (jb * 16), pv])
                new[jb] = new[jb] + v
                new[JB + jb] = new[JB + jb] + v * v
            return tuple(new)

        stats = lax.fori_loop(0, TPS, a_body, (zero,) * (2 * JB), unroll=4)
        for jb in range(JB):
            stage_v[pl.ds(jb * 16, 16)] = stats[jb]
            stage_v[pl.ds(64 + jb * 16, 16)] = stats[JB + jb]
        pltpu.sync_copy(stage_v, stats_sh.at[s])
        plsc.subcore_barrier()

        pltpu.sync_copy(stats_sh, allst_v)

        def r_body(srow, carry):
            rv = jnp.full((16,), srow, jnp.int32)
            return tuple(
                carry[r] + plsc.load_gather(allst_v, [rv, iota + (r * 16)])
                for r in range(2 * JB))

        tot = lax.fori_loop(0, NS, r_body, (zero,) * (2 * JB), unroll=4)
        for r in range(2 * JB):
            s1s2_v[pl.ds(r * 16, 16)] = tot[r]

        cp_et.wait()

        def b_body(j, carry):
            jv = jnp.full((16,), j, jnp.int32)
            s1j = plsc.load_gather(s1s2_v, [jv])
            s2j = plsc.load_gather(s1s2_v, [jv + C])
            t1 = 2.0 * s1j
            out = []
            for t in range(NCH):
                mv1, mi1, mv2, mi2 = carry[4 * t:4 * t + 4]
                e = plsc.load_gather(et_v, [jv, iota + (t * 16)])
                d = (s2j - t1 * e) + float(HW) * (e * e)
                m1 = d < mv1
                m2 = jnp.logical_and(d < mv2, jnp.logical_not(m1))
                out.append(jnp.where(m1, d, mv1))
                out.append(jnp.where(m1, jv, mi1))
                out.append(jnp.where(m1, mv1, jnp.where(m2, d, mv2)))
                out.append(jnp.where(m1, mi1, jnp.where(m2, jv, mi2)))
            return tuple(out)

        big = jnp.full((16,), 3.4e38, jnp.float32)
        binit = (big, izero, big, izero) * NCH
        bres = lax.fori_loop(0, C, b_body, binit, unroll=2)
        for t in range(NCH):
            idx_v[pl.ds(t * 16, 16)] = bres[4 * t + 1]

        amb = [bres[4 * t + 2] - bres[4 * t] < 2e-3 for t in range(NCH)]
        anyamb = jnp.any(jnp.logical_or(amb[0], amb[1]))

        @pl.when(anyamb)
        def _refine():
            pltpu.sync_copy(x2d_hbm, xfull_v)
            for t in range(NCH):
                mi1, mi2 = bres[4 * t + 1], bres[4 * t + 3]
                ev1 = plsc.load_gather(et_v, [mi1, iota + (t * 16)])
                ev2 = plsc.load_gather(et_v, [mi2, iota + (t * 16)])

                def h_body(p, carry, mi1=mi1, mi2=mi2, ev1=ev1, ev2=ev2):
                    a1, a2 = carry
                    pv = jnp.full((16,), p, jnp.int32)
                    v1 = plsc.load_gather(xfull_v, [mi1, pv])
                    v2 = plsc.load_gather(xfull_v, [mi2, pv])
                    t1d = v1 - ev1
                    t2d = v2 - ev2
                    return (a1 + t1d * t1d, a2 + t2d * t2d)

                h1a, h2a = lax.fori_loop(0, HW // 2, h_body, (zero, zero),
                                         unroll=4)
                h1b, h2b = lax.fori_loop(HW // 2, HW, h_body, (zero, zero),
                                         unroll=4)
                d1 = h1a + h1b
                d2 = h2a + h2b
                use2 = jnp.logical_or(
                    d2 < d1, jnp.logical_and(d2 == d1, mi2 < mi1))
                refined = jnp.where(use2, mi2, mi1)
                idx_v[pl.ds(t * 16, 16)] = jnp.where(amb[t], refined, mi1)

        minidx = [idx_v[pl.ds(0, 16)], idx_v[pl.ds(16, 16)]]

        cp_e64.wait()

        def c_body(c, carry):
            cv = jnp.full((16,), c, jnp.int32)
            out = []
            for t in range(NCH):
                qs, q2, xs, x2 = carry[4 * t:4 * t + 4]
                g = plsc.load_gather(et64_v, [cv, minidx[t]])
                plsc.store_scatter(out_v, [cv, iota + (t * 16)], g)
                v = plsc.load_gather(xw_v, [cv, iota + (t * 16)])
                out.extend((qs + g, q2 + g * g, xs + v, x2 + v * v))
            return tuple(out)

        cres = lax.fori_loop(0, C, c_body, (zero,) * (4 * NCH), unroll=2)
        loss_acc = zero
        for t in range(NCH):
            qs, q2, xs, x2 = cres[4 * t:4 * t + 4]
            loss_acc = loss_acc + (float(C) * q2 - (2.0 * qs) * xs
                                   + float(C) * x2)

        pltpu.sync_copy(out_v, out_hbm.at[:, pl.ds(s * TPS, TPS)])

        for pz in range(8):
            lstage_v[pl.ds(pz * 16, 16)] = zero
        lstage_v[pl.ds(0, 16)] = loss_acc
        pltpu.sync_copy(lstage_v, loss_sh.at[s])
        plsc.subcore_barrier()

        @pl.when(s == 0)
        def _final():
            pltpu.sync_copy(loss_sh, lall_v)

            def l_body(srow, acc):
                rv = jnp.full((16,), srow, jnp.int32)
                return acc + plsc.load_gather(lall_v, [rv, iota])

            acc = lax.fori_loop(0, NS, l_body, zero, unroll=4)
            total = plsc.cumsum(acc)[15] * LOSS_SCALE
            for pz in range(8):
                lossv_v[pl.ds(pz * 16, 16)] = zero
            lossv_v[pl.ds(0, 16)] = zero + total
            pltpu.sync_copy(lossv_v, loss_hbm)


_vq_call_cache = []


def _get_vq_call():
    if not _vq_call_cache:
        _vq_call_cache.append(_build_vq_call())
    return _vq_call_cache[0]


def _build_vq_call():
    return pl.kernel(
        _vq_body,
        out_type=(
            jax.ShapeDtypeStruct((C, K), jnp.float32),
            jax.ShapeDtypeStruct((2 * C,), jnp.float32),
        ),
        mesh=plsc.VectorSubcoreMesh(core_axis_name="c", subcore_axis_name="s",
                                    num_cores=2, num_subcores=16),
        compiler_params=pltpu.CompilerParams(needs_layout_passes=False,
                                             use_tc_tiling_on_sc=False),
        scratch_types=[
            pltpu.VMEM((C, TPS), jnp.float32),
            pltpu.VMEM((C, TPS), jnp.float32),
            pltpu.VMEM((C, C), jnp.float32),
            pltpu.VMEM((C, TPS), jnp.float32),
            pltpu.VMEM((2 * C,), jnp.float32),
            pltpu.VMEM((NS, 2 * C), jnp.float32),
            pltpu.VMEM((2 * C,), jnp.float32),
            pltpu.VMEM((2 * C,), jnp.float32),
            pltpu.VMEM((NS, 2 * C), jnp.float32),
            pltpu.VMEM((2 * C,), jnp.float32),
            pltpu.VMEM((TPS,), jnp.int32),
            pltpu.VMEM((C, HW), jnp.float32),
            pltpu.SemaphoreType.DMA,
            pltpu.SemaphoreType.DMA,
            pltpu.SemaphoreType.DMA,
            pltpu.VMEM_SHARED((NS, 2 * C), jnp.float32),
            pltpu.VMEM_SHARED((NS, 2 * C), jnp.float32),
        ],
    )


def kernel(x, embeddings):
    b, c, h, w = x.shape
    x2d = x.reshape(c, h * w)
    et = embeddings.T

    out2d, loss_vec = _get_vq_call()(x2d, et)
    z_q = out2d.reshape(b, c, h, w)
    return (z_q, loss_vec[0])

# --- scband reference (transcript-rebuilt; emitter-appended) ---
"""Pipeline reference for scband-vector-quantizer-36739150250690 (READ-ONLY COPY).

The authoritative reference and input builder live on the scoring server;
editing this copy changes nothing except your own understanding.
"""

import jax, jax.numpy as jnp
import numpy as np


def setup_inputs(seed: int = 0) -> dict:
    key = jax.random.key(seed)
    k1, k2 = jax.random.split(key)
    x = jax.random.normal(k1, (1, 64, 512, 1), dtype=jnp.float32)
    embeddings = jax.random.normal(k2, (512, 64), dtype=jnp.float32)
    return {"x": x, "embeddings": embeddings}


def reference(x, embeddings):
    b, c, h, w = x.shape
    embedding_dim = embeddings.shape[1]
    # x.view(b, c, -1).transpose(1, 2) -> [b, h*w, c]
    xt = jnp.transpose(x.reshape(b, c, h * w), (0, 2, 1))
    # (x.unsqueeze(2) - emb.unsqueeze(0).unsqueeze(0)) ** 2 -> [b, h*w, K, c]
    distances = (xt[:, :, None, :] - embeddings[None, None, :, :]) ** 2
    # NOTE: original torch code sums over dim=1 (the token dim), faithful here
    distances = distances.sum(axis=1)  # [b, K, c]
    # argmin over dim=2 (the channel dim), faithful to original
    indices = jnp.argmin(distances, axis=2)  # [b, K]
    z_q = jnp.take(embeddings, indices, axis=0)  # [b, K, c]
    z_q = jnp.transpose(z_q, (0, 2, 1)).reshape(b, embedding_dim, h, w)

    def mse(a, t):
        # F.mse_loss broadcasts operands then takes the mean
        return jnp.mean((a - t) ** 2)

    quantization_loss = mse(jax.lax.stop_gradient(z_q), xt) + mse(z_q, jax.lax.stop_gradient(xt))
    return (z_q, quantization_loss)

if __name__ == "__main__":
    import jax
    _d = setup_inputs()
    print(jax.jit(kernel)(*tuple(_d.values())))

</pallas_src>

<mosaic_0001>
#map = affine_map<(d0, d1) -> (0, 0)>
#map1 = affine_map<(d0, d1) -> (0)>
module attributes {stable_mosaic.version = 14 : i64} {
  func.func @_vq_body(%arg0: i32, %arg1: i32, %arg2: memref<64x512xf32, #tpu.memory_space<hbm>>, %arg3: memref<64x512xf32, #tpu.memory_space<hbm>>, %arg4: memref<64x512xf32, #tpu.memory_space<hbm>>, %arg5: memref<128xf32, #tpu.memory_space<hbm>>, %arg6: memref<64x32xf32, #tpu.memory_space<vmem>>, %arg7: memref<64x32xf32, #tpu.memory_space<vmem>>, %arg8: memref<64x64xf32, #tpu.memory_space<vmem>>, %arg9: memref<64x32xf32, #tpu.memory_space<vmem>>, %arg10: memref<128xf32, #tpu.memory_space<vmem>>, %arg11: memref<16x128xf32, #tpu.memory_space<vmem>>, %arg12: memref<128xf32, #tpu.memory_space<vmem>>, %arg13: memref<128xf32, #tpu.memory_space<vmem>>, %arg14: memref<16x128xf32, #tpu.memory_space<vmem>>, %arg15: memref<128xf32, #tpu.memory_space<vmem>>, %arg16: memref<32xi32, #tpu.memory_space<vmem>>, %arg17: memref<64x512xf32, #tpu.memory_space<vmem>>, %arg18: memref<!tpu.dma_semaphore, #tpu.memory_space<semaphore_mem>>, %arg19: memref<!tpu.dma_semaphore, #tpu.memory_space<semaphore_mem>>, %arg20: memref<!tpu.dma_semaphore, #tpu.memory_space<semaphore_mem>>, %arg21: memref<16x128xf32, #tpu.memory_space<vmem_shared>>, %arg22: memref<16x128xf32, #tpu.memory_space<vmem_shared>>) attributes {dimension_semantics = [#tpu.dimension_semantics<core_parallel>, #tpu.dimension_semantics<subcore_parallel>], iteration_bounds = array<i64: 2, 16>, scalar_prefetch = 0 : i64, scratch_operands = 17 : i64, tpu.core_type = #tpu.core_type<sc_vector_subcore>, window_params = [{transform_indices = #map}, {transform_indices = #map}, {transform_indices = #map}, {transform_indices = #map1}]} {
    %eq3A = arith.constant 0 : i32
    %eq3A_0 = arith.cmpi eq, %arg0, %eq3A : i32
    %convert_element_type3A = arith.extui %eq3A_0 : i1 to i32
    %cond3A = arith.constant 0 : i32
    %cond3A_1 = arith.cmpi ne, %convert_element_type3A, %cond3A : i32
    scf.if %cond3A_1 {
      %broadcast_in_dim3A = arith.constant 0.000000e+00 : f32
      %broadcast_in_dim3A_2 = vector.broadcast %broadcast_in_dim3A : f32 to vector<16xf32>
      %broadcast_in_dim3A_3 = arith.constant 0 : i32
      %broadcast_in_dim3A_4 = vector.broadcast %broadcast_in_dim3A_3 : i32 to vector<16xi32>
      %iota3A = tpu.iota {dimensions = array<i32: 0>} : vector<16xi32>
      %mul3A = arith.constant 32 : i32
      %mul3A_5 = arith.muli %arg1, %mul3A : i32
      %dma_start3A = arith.constant 0 : i32
      %dma_start3A_6 = tpu.memref_slice %arg2[%dma_start3A, %mul3A_5] : memref<64x512xf32, #tpu.memory_space<hbm>> -> memref<64x32xf32, #tpu.memory_space<hbm>>
      %dma_start3A_7 = arith.constant 0 : i32
      %dma_start3A_8 = tpu.memref_slice %arg2[%dma_start3A_7, %mul3A_5] : memref<64x512xf32, #tpu.memory_space<hbm>> -> memref<64x32xf32, #tpu.memory_space<hbm>>
      tpu.enqueue_dma source(%dma_start3A_8 : memref<64x32xf32, #tpu.memory_space<hbm>>) target(%arg6 : memref<64x32xf32, #tpu.memory_space<vmem>>) target_semaphore(%arg18 : memref<!tpu.dma_semaphore, #tpu.memory_space<semaphore_mem>>)
      %mul3A_9 = arith.constant 32 : i32
      %mul3A_10 = arith.muli %arg1, %mul3A_9 : i32
      %dma_start3A_11 = arith.constant 0 : i32
      %dma_start3A_12 = tpu.memref_slice %arg3[%dma_start3A_11, %mul3A_10] : memref<64x512xf32, #tpu.memory_space<hbm>> -> memref<64x32xf32, #tpu.memory_space<hbm>>
      %dma_start3A_13 = arith.constant 0 : i32
      %dma_start3A_14 = tpu.memref_slice %arg3[%dma_start3A_13, %mul3A_10] : memref<64x512xf32, #tpu.memory_space<hbm>> -> memref<64x32xf32, #tpu.memory_space<hbm>>
      tpu.enqueue_dma source(%dma_start3A_14 : memref<64x32xf32, #tpu.memory_space<hbm>>) target(%arg7 : memref<64x32xf32, #tpu.memory_space<vmem>>) target_semaphore(%arg19 : memref<!tpu.dma_semaphore, #tpu.memory_space<semaphore_mem>>)
      %dma_start3A_15 = arith.constant 0 : i32
      %dma_start3A_16 = arith.constant 0 : i32
      %dma_start3A_17 = tpu.memref_slice %arg3[%dma_start3A_15, %dma_start3A_16] : memref<64x512xf32, #tpu.memory_space<hbm>> -> memref<64x64xf32, #tpu.memory_space<hbm>>
      %dma_start3A_18 = arith.constant 0 : i32
      %dma_start3A_19 = arith.constant 0 : i32
      %dma_start3A_20 = tpu.memref_slice %arg3[%dma_start3A_18, %dma_start3A_19] : memref<64x512xf32, #tpu.memory_space<hbm>> -> memref<64x64xf32, #tpu.memory_space<hbm>>
      tpu.enqueue_dma source(%dma_start3A_20 : memref<64x64xf32, #tpu.memory_space<hbm>>) target(%arg8 : memref<64x64xf32, #tpu.memory_space<vmem>>) target_semaphore(%arg20 : memref<!tpu.dma_semaphore, #tpu.memory_space<semaphore_mem>>)
      %dma_wait3A = arith.constant 0 : i32
      %dma_wait3A_21 = tpu.memref_slice %arg2[%dma_wait3A, %mul3A_5] : memref<64x512xf32, #tpu.memory_space<hbm>> -> memref<64x32xf32, #tpu.memory_space<hbm>>
      %dma_wait3A_22 = arith.constant 0 : i32
      %dma_wait3A_23 = tpu.memref_slice %arg2[%dma_wait3A_22, %mul3A_5] : memref<64x512xf32, #tpu.memory_space<hbm>> -> memref<64x32xf32, #tpu.memory_space<hbm>>
      tpu.wait_dma2 semaphore(%arg18 : memref<!tpu.dma_semaphore, #tpu.memory_space<semaphore_mem>>) src(%dma_wait3A_23 : memref<64x32xf32, #tpu.memory_space<hbm>>) dst(%arg6 : memref<64x32xf32, #tpu.memory_space<vmem>>)
      %scan3A = arith.constant 0 : i32
      %scan3A_24 = arith.constant 32 : i32
      %scan3A_25 = arith.addi %scan3A, %scan3A_24 : i32
      %scan3A_26 = arith.constant 4 : i32
      %scan3A_27:8 = scf.for %scan3A_167 = %scan3A to %scan3A_25 step %scan3A_26 iter_args(%scan3A_168 = %broadcast_in_dim3A_2, %scan3A_169 = %broadcast_in_dim3A_2, %scan3A_170 = %broadcast_in_dim3A_2, %scan3A_171 = %broadcast_in_dim3A_2, %scan3A_172 = %broadcast_in_dim3A_2, %scan3A_173 = %broadcast_in_dim3A_2, %scan3A_174 = %broadcast_in_dim3A_2, %scan3A_175 = %broadcast_in_dim3A_2) -> (vector<16xf32>, vector<16xf32>, vector<16xf32>, vector<16xf32>, vector<16xf32>, vector<16xf32>, vector<16xf32>, vector<16xf32>)  : i32 {
        %broadcast_in_dim3A_176 = vector.broadcast %scan3A_167 : i32 to vector<16xi32>
        %add3A_177 = arith.constant 0 : i32
        %add3A_178 = vector.broadcast %add3A_177 : i32 to vector<16xi32>
        %add3A_179 = arith.addi %iota3A, %add3A_178 : vector<16xi32>
        %gather3A = tpu.vector_load_idx %arg6[%add3A_179, %broadcast_in_dim3A_176] : memref<64x32xf32, #tpu.memory_space<vmem>>[vector<16xi32>, vector<16xi32>], vector<16xf32>,
        %add3A_180 = arith.addf %scan3A_168, %gather3A : vector<16xf32>
        %mul3A_181 = arith.mulf %gather3A, %gather3A : vector<16xf32>
        %add3A_182 = arith.addf %scan3A_172, %mul3A_181 : vector<16xf32>
        %add3A_183 = arith.constant 16 : i32
        %add3A_184 = vector.broadcast %add3A_183 : i32 to vector<16xi32>
        %add3A_185 = arith.addi %iota3A, %add3A_184 : vector<16xi32>
        %gather3A_186 = tpu.vector_load_idx %arg6[%add3A_185, %broadcast_in_dim3A_176] : memref<64x32xf32, #tpu.memory_space<vmem>>[vector<16xi32>, vector<16xi32>], vector<16xf32>,
        %add3A_187 = arith.addf %scan3A_169, %gather3A_186 : vector<16xf32>
        %mul3A_188 = arith.mulf %gather3A_186, %gather3A_186 : vector<16xf32>
        %add3A_189 = arith.addf %scan3A_173, %mul3A_188 : vector<16xf32>
        %add3A_190 = arith.constant 32 : i32
        %add3A_191 = vector.broadcast %add3A_190 : i32 to vector<16xi32>
        %add3A_192 = arith.addi %iota3A, %add3A_191 : vector<16xi32>
        %gather3A_193 = tpu.vector_load_idx %arg6[%add3A_192, %broadcast_in_dim3A_176] : memref<64x32xf32, #tpu.memory_space<vmem>>[vector<16xi32>, vector<16xi32>], vector<16xf32>,
        %add3A_194 = arith.addf %scan3A_170, %gather3A_193 : vector<16xf32>
        %mul3A_195 = arith.mulf %gather3A_193, %gather3A_193 : vector<16xf32>
        %add3A_196 = arith.addf %scan3A_174, %mul3A_195 : vector<16xf32>
        %add3A_197 = arith.constant 48 : i32
        %add3A_198 = vector.broadcast %add3A_197 : i32 to vector<16xi32>
        %add3A_199 = arith.addi %iota3A, %add3A_198 : vector<16xi32>
        %gather3A_200 = tpu.vector_load_idx %arg6[%add3A_199, %broadcast_in_dim3A_176] : memref<64x32xf32, #tpu.memory_space<vmem>>[vector<16xi32>, vector<16xi32>], vector<16xf32>,
        %add3A_201 = arith.addf %scan3A_171, %gather3A_200 : vector<16xf32>
        %mul3A_202 = arith.mulf %gather3A_200, %gather3A_200 : vector<16xf32>
        %add3A_203 = arith.addf %scan3A_175, %mul3A_202 : vector<16xf32>
        %scan3A_204 = arith.constant 1 : i32
        %scan3A_205 = arith.addi %scan3A_167, %scan3A_204 : i32
        %broadcast_in_dim3A_206 = vector.broadcast %scan3A_205 : i32 to vector<16xi32>
        %add3A_207 = arith.constant 0 : i32
        %add3A_208 = vector.broadcast %add3A_207 : i32 to vector<16xi32>
        %add3A_209 = arith.addi %iota3A, %add3A_208 : vector<16xi32>
        %gather3A_210 = tpu.vector_load_idx %arg6[%add3A_209, %broadcast_in_dim3A_206] : memref<64x32xf32, #tpu.memory_space<vmem>>[vector<16xi32>, vector<16xi32>], vector<16xf32>,
        %add3A_211 = arith.addf %add3A_180, %gather3A_210 : vector<16xf32>
        %mul3A_212 = arith.mulf %gather3A_210, %gather3A_210 : vector<16xf32>
        %add3A_213 = arith.addf %add3A_182, %mul3A_212 : vector<16xf32>
        %add3A_214 = arith.constant 16 : i32
        %add3A_215 = vector.broadcast %add3A_214 : i32 to vector<16xi32>
        %add3A_216 = arith.addi %iota3A, %add3A_215 : vector<16xi32>
        %gather3A_217 = tpu.vector_load_idx %arg6[%add3A_216, %broadcast_in_dim3A_206] : memref<64x32xf32, #tpu.memory_space<vmem>>[vector<16xi32>, vector<16xi32>], vector<16xf32>,
        %add3A_218 = arith.addf %add3A_187, %gather3A_217 : vector<16xf32>
        %mul3A_219 = arith.mulf %gather3A_217, %gather3A_217 : vector<16xf32>
        %add3A_220 = arith.addf %add3A_189, %mul3A_219 : vector<16xf32>
        %add3A_221 = arith.constant 32 : i32
        %add3A_222 = vector.broadcast %add3A_221 : i32 to vector<16xi32>
        %add3A_223 = arith.addi %iota3A, %add3A_222 : vector<16xi32>
        %gather3A_224 = tpu.vector_load_idx %arg6[%add3A_223, %broadcast_in_dim3A_206] : memref<64x32xf32, #tpu.memory_space<vmem>>[vector<16xi32>, vector<16xi32>], vector<16xf32>,
        %add3A_225 = arith.addf %add3A_194, %gather3A_224 : vector<16xf32>
        %mul3A_226 = arith.mulf %gather3A_224, %gather3A_224 : vector<16xf32>
        %add3A_227 = arith.addf %add3A_196, %mul3A_226 : vector<16xf32>
        %add3A_228 = arith.constant 48 : i32
        %add3A_229 = vector.broadcast %add3A_228 : i32 to vector<16xi32>
        %add3A_230 = arith.addi %iota3A, %add3A_229 : vector<16xi32>
        %gather3A_231 = tpu.vector_load_idx %arg6[%add3A_230, %broadcast_in_dim3A_206] : memref<64x32xf32, #tpu.memory_space<vmem>>[vector<16xi32>, vector<16xi32>], vector<16xf32>,
        %add3A_232 = arith.addf %add3A_201, %gather3A_231 : vector<16xf32>
        %mul3A_233 = arith.mulf %gather3A_231, %gather3A_231 : vector<16xf32>
        %add3A_234 = arith.addf %add3A_203, %mul3A_233 : vector<16xf32>
        %scan3A_235 = arith.constant 2 : i32
        %scan3A_236 = arith.addi %scan3A_167, %scan3A_235 : i32
        %broadcast_in_dim3A_237 = vector.broadcast %scan3A_236 : i32 to vector<16xi32>
        %add3A_238 = arith.constant 0 : i32
        %add3A_239 = vector.broadcast %add3A_238 : i32 to vector<16xi32>
        %add3A_240 = arith.addi %iota3A, %add3A_239 : vector<16xi32>
        %gather3A_241 = tpu.vector_load_idx %arg6[%add3A_240, %broadcast_in_dim3A_237] : memref<64x32xf32, #tpu.memory_space<vmem>>[vector<16xi32>, vector<16xi32>], vector<16xf32>,
        %add3A_242 = arith.addf %add3A_211, %gather3A_241 : vector<16xf32>
        %mul3A_243 = arith.mulf %gather3A_241, %gather3A_241 : vector<16xf32>
        %add3A_244 = arith.addf %add3A_213, %mul3A_243 : vector<16xf32>
        %add3A_245 = arith.constant 16 : i32
        %add3A_246 = vector.broadcast %add3A_245 : i32 to vector<16xi32>
        %add3A_247 = arith.addi %iota3A, %add3A_246 : vector<16xi32>
        %gather3A_248 = tpu.vector_load_idx %arg6[%add3A_247, %broadcast_in_dim3A_237] : memref<64x32xf32, #tpu.memory_space<vmem>>[vector<16xi32>, vector<16xi32>], vector<16xf32>,
        %add3A_249 = arith.addf %add3A_218, %gather3A_248 : vector<16xf32>
        %mul3A_250 = arith.mulf %gather3A_248, %gather3A_248 : vector<16xf32>
        %add3A_251 = arith.addf %add3A_220, %mul3A_250 : vector<16xf32>
        %add3A_252 = arith.constant 32 : i32
        %add3A_253 = vector.broadcast %add3A_252 : i32 to vector<16xi32>
        %add3A_254 = arith.addi %iota3A, %add3A_253 : vector<16xi32>
        %gather3A_255 = tpu.vector_load_idx %arg6[%add3A_254, %broadcast_in_dim3A_237] : memref<64x32xf32, #tpu.memory_space<vmem>>[vector<16xi32>, vector<16xi32>], vector<16xf32>,
        %add3A_256 = arith.addf %add3A_225, %gather3A_255 : vector<16xf32>
        %mul3A_257 = arith.mulf %gather3A_255, %gather3A_255 : vector<16xf32>
        %add3A_258 = arith.addf %add3A_227, %mul3A_257 : vector<16xf32>
        %add3A_259 = arith.constant 48 : i32
        %add3A_260 = vector.broadcast %add3A_259 : i32 to vector<16xi32>
        %add3A_261 = arith.addi %iota3A, %add3A_260 : vector<16xi32>
        %gather3A_262 = tpu.vector_load_idx %arg6[%add3A_261, %broadcast_in_dim3A_237] : memref<64x32xf32, #tpu.memory_space<vmem>>[vector<16xi32>, vector<16xi32>], vector<16xf32>,
        %add3A_263 = arith.addf %add3A_232, %gather3A_262 : vector<16xf32>
        %mul3A_264 = arith.mulf %gather3A_262, %gather3A_262 : vector<16xf32>
        %add3A_265 = arith.addf %add3A_234, %mul3A_264 : vector<16xf32>
        %scan3A_266 = arith.constant 3 : i32
        %scan3A_267 = arith.addi %scan3A_167, %scan3A_266 : i32
        %broadcast_in_dim3A_268 = vector.broadcast %scan3A_267 : i32 to vector<16xi32>
        %add3A_269 = arith.constant 0 : i32
        %add3A_270 = vector.broadcast %add3A_269 : i32 to vector<16xi32>
        %add3A_271 = arith.addi %iota3A, %add3A_270 : vector<16xi32>
        %gather3A_272 = tpu.vector_load_idx %arg6[%add3A_271, %broadcast_in_dim3A_268] : memref<64x32xf32, #tpu.memory_space<vmem>>[vector<16xi32>, vector<16xi32>], vector<16xf32>,
        %add3A_273 = arith.addf %add3A_242, %gather3A_272 : vector<16xf32>
        %mul3A_274 = arith.mulf %gather3A_272, %gather3A_272 : vector<16xf32>
        %add3A_275 = arith.addf %add3A_244, %mul3A_274 : vector<16xf32>
        %add3A_276 = arith.constant 16 : i32
        %add3A_277 = vector.broadcast %add3A_276 : i32 to vector<16xi32>
        %add3A_278 = arith.addi %iota3A, %add3A_277 : vector<16xi32>
        %gather3A_279 = tpu.vector_load_idx %arg6[%add3A_278, %broadcast_in_dim3A_268] : memref<64x32xf32, #tpu.memory_space<vmem>>[vector<16xi32>, vector<16xi32>], vector<16xf32>,
        %add3A_280 = arith.addf %add3A_249, %gather3A_279 : vector<16xf32>
        %mul3A_281 = arith.mulf %gather3A_279, %gather3A_279 : vector<16xf32>
        %add3A_282 = arith.addf %add3A_251, %mul3A_281 : vector<16xf32>
        %add3A_283 = arith.constant 32 : i32
        %add3A_284 = vector.broadcast %add3A_283 : i32 to vector<16xi32>
        %add3A_285 = arith.addi %iota3A, %add3A_284 : vector<16xi32>
        %gather3A_286 = tpu.vector_load_idx %arg6[%add3A_285, %broadcast_in_dim3A_268] : memref<64x32xf32, #tpu.memory_space<vmem>>[vector<16xi32>, vector<16xi32>], vector<16xf32>,
        %add3A_287 = arith.addf %add3A_256, %gather3A_286 : vector<16xf32>
        %mul3A_288 = arith.mulf %gather3A_286, %gather3A_286 : vector<16xf32>
        %add3A_289 = arith.addf %add3A_258, %mul3A_288 : vector<16xf32>
        %add3A_290 = arith.constant 48 : i32
        %add3A_291 = vector.broadcast %add3A_290 : i32 to vector<16xi32>
        %add3A_292 = arith.addi %iota3A, %add3A_291 : vector<16xi32>
        %gather3A_293 = tpu.vector_load_idx %arg6[%add3A_292, %broadcast_in_dim3A_268] : memref<64x32xf32, #tpu.memory_space<vmem>>[vector<16xi32>, vector<16xi32>], vector<16xf32>,
        %add3A_294 = arith.addf %add3A_263, %gather3A_293 : vector<16xf32>
        %mul3A_295 = arith.mulf %gather3A_293, %gather3A_293 : vector<16xf32>
        %add3A_296 = arith.addf %add3A_265, %mul3A_295 : vector<16xf32>
        scf.yield %add3A_273, %add3A_280, %add3A_287, %add3A_294, %add3A_275, %add3A_282, %add3A_289, %add3A_296 : vector<16xf32>, vector<16xf32>, vector<16xf32>, vector<16xf32>, vector<16xf32>, vector<16xf32>, vector<16xf32>, vector<16xf32>
      }
      %scan3A_28 = arith.constant 32 : i32
      %swap3A = arith.constant 0 : index
      %swap3A_29 = tpu.vector_load %arg10[%swap3A] {strides = array<i32>} : memref<128xf32, #tpu.memory_space<vmem>>, vector<16xf32>,
      tpu.vector_store %arg10[%swap3A], %scan3A_27#0 {strides = array<i32>} : memref<128xf32, #tpu.memory_space<vmem>>, vector<16xf32>,
      %swap3A_30 = arith.constant 64 : index
      %swap3A_31 = tpu.vector_load %arg10[%swap3A_30] {strides = array<i32>} : memref<128xf32, #tpu.memory_space<vmem>>, vector<16xf32>,
      tpu.vector_store %arg10[%swap3A_30], %scan3A_27#4 {strides = array<i32>} : memref<128xf32, #tpu.memory_space<vmem>>, vector<16xf32>,
      %swap3A_32 = arith.constant 16 : index
      %swap3A_33 = tpu.vector_load %arg10[%swap3A_32] {strides = array<i32>} : memref<128xf32, #tpu.memory_space<vmem>>, vector<16xf32>,
      tpu.vector_store %arg10[%swap3A_32], %scan3A_27#1 {strides = array<i32>} : memref<128xf32, #tpu.memory_space<vmem>>, vector<16xf32>,
      %swap3A_34 = arith.constant 80 : index
      %swap3A_35 = tpu.vector_load %arg10[%swap3A_34] {strides = array<i32>} : memref<128xf32, #tpu.memory_space<vmem>>, vector<16xf32>,
      tpu.vector_store %arg10[%swap3A_34], %scan3A_27#5 {strides = array<i32>} : memref<128xf32, #tpu.memory_space<vmem>>, vector<16xf32>,
      %swap3A_36 = arith.constant 32 : index
      %swap3A_37 = tpu.vector_load %arg10[%swap3A_36] {strides = array<i32>} : memref<128xf32, #tpu.memory_space<vmem>>, vector<16xf32>,
      tpu.vector_store %arg10[%swap3A_36], %scan3A_27#2 {strides = array<i32>} : memref<128xf32, #tpu.memory_space<vmem>>, vector<16xf32>,
      %swap3A_38 = arith.constant 96 : index
      %swap3A_39 = tpu.vector_load %arg10[%swap3A_38] {strides = array<i32>} : memref<128xf32, #tpu.memory_space<vmem>>, vector<16xf32>,
      tpu.vector_store %arg10[%swap3A_38], %scan3A_27#6 {strides = array<i32>} : memref<128xf32, #tpu.memory_space<vmem>>, vector<16xf32>,
      %swap3A_40 = arith.constant 48 : index
      %swap3A_41 = tpu.vector_load %arg10[%swap3A_40] {strides = array<i32>} : memref<128xf32, #tpu.memory_space<vmem>>, vector<16xf32>,
      tpu.vector_store %arg10[%swap3A_40], %scan3A_27#3 {strides = array<i32>} : memref<128xf32, #tpu.memory_space<vmem>>, vector<16xf32>,
      %swap3A_42 = arith.constant 112 : index
      %swap3A_43 = tpu.vector_load %arg10[%swap3A_42] {strides = array<i32>} : memref<128xf32, #tpu.memory_space<vmem>>, vector<16xf32>,
      tpu.vector_store %arg10[%swap3A_42], %scan3A_27#7 {strides = array<i32>} : memref<128xf32, #tpu.memory_space<vmem>>, vector<16xf32>,
      "tpu.region"() ({
        %run_scoped3A = tpu.sem_alloc : memref<!tpu.dma_semaphore, #tpu.memory_space<semaphore_mem>>
        %dma_start3A_167 = arith.constant 0 : i32
        %dma_start3A_168 = tpu.memref_slice %arg21[%arg1, %dma_start3A_167] : memref<16x128xf32, #tpu.memory_space<vmem_shared>> -> memref<1x128xf32, #tpu.memory_space<vmem_shared>>
        %dma_start3A_169 = tpu.memref_squeeze %dma_start3A_168 : memref<1x128xf32, #tpu.memory_space<vmem_shared>> -> memref<128xf32, #tpu.memory_space<vmem_shared>>
        %dma_start3A_170 = arith.constant 0 : i32
        %dma_start3A_171 = tpu.memref_slice %arg21[%arg1, %dma_start3A_170] : memref<16x128xf32, #tpu.memory_space<vmem_shared>> -> memref<1x128xf32, #tpu.memory_space<vmem_shared>>
        %dma_start3A_172 = tpu.memref_squeeze %dma_start3A_171 : memref<1x128xf32, #tpu.memory_space<vmem_shared>> -> memref<128xf32, #tpu.memory_space<vmem_shared>>
        tpu.enqueue_dma source(%arg10 : memref<128xf32, #tpu.memory_space<vmem>>) target(%dma_start3A_172 : memref<128xf32, #tpu.memory_space<vmem_shared>>) target_semaphore(%run_scoped3A : memref<!tpu.dma_semaphore, #tpu.memory_space<semaphore_mem>>)
        %dma_wait3A_173 = arith.constant 0 : i32
        %dma_wait3A_174 = tpu.memref_slice %arg21[%arg1, %dma_wait3A_173] : memref<16x128xf32, #tpu.memory_space<vmem_shared>> -> memref<1x128xf32, #tpu.memory_space<vmem_shared>>
        %dma_wait3A_175 = tpu.memref_squeeze %dma_wait3A_174 : memref<1x128xf32, #tpu.memory_space<vmem_shared>> -> memref<128xf32, #tpu.memory_space<vmem_shared>>
        %dma_wait3A_176 = arith.constant 0 : i32
        %dma_wait3A_177 = tpu.memref_slice %arg21[%arg1, %dma_wait3A_176] : memref<16x128xf32, #tpu.memory_space<vmem_shared>> -> memref<1x128xf32, #tpu.memory_space<vmem_shared>>
        %dma_wait3A_178 = tpu.memref_squeeze %dma_wait3A_177 : memref<1x128xf32, #tpu.memory_space<vmem_shared>> -> memref<128xf32, #tpu.memory_space<vmem_shared>>
        tpu.wait_dma2 semaphore(%run_scoped3A : memref<!tpu.dma_semaphore, #tpu.memory_space<semaphore_mem>>) src(%arg10 : memref<128xf32, #tpu.memory_space<vmem>>) dst(%dma_wait3A_178 : memref<128xf32, #tpu.memory_space<vmem_shared>>)
        tpu.yield
      }) : () -> ()
      %barrier3A = arith.constant 0 : index
      tpu.barrier barrier_id(%barrier3A)
      "tpu.region"() ({
        %run_scoped3A = tpu.sem_alloc : memref<!tpu.dma_semaphore, #tpu.memory_space<semaphore_mem>>
        tpu.enqueue_dma source(%arg21 : memref<16x128xf32, #tpu.memory_space<vmem_shared>>) target(%arg11 : memref<16x128xf32, #tpu.memory_space<vmem>>) target_semaphore(%run_scoped3A : memref<!tpu.dma_semaphore, #tpu.memory_space<semaphore_mem>>)
        tpu.wait_dma2 semaphore(%run_scoped3A : memref<!tpu.dma_semaphore, #tpu.memory_space<semaphore_mem>>) src(%arg21 : memref<16x128xf32, #tpu.memory_space<vmem_shared>>) dst(%arg11 : memref<16x128xf32, #tpu.memory_space<vmem>>)
        tpu.yield
      }) : () -> ()
      %scan3A_44 = arith.constant 0 : i32
      %scan3A_45 = arith.constant 16 : i32
      %scan3A_46 = arith.addi %scan3A_44, %scan3A_45 : i32
      %scan3A_47 = arith.constant 4 : i32
      %scan3A_48:8 = scf.for %scan3A_167 = %scan3A_44 to %scan3A_46 step %scan3A_47 iter_args(%scan3A_168 = %broadcast_in_dim3A_2, %scan3A_169 = %broadcast_in_dim3A_2, %scan3A_170 = %broadcast_in_dim3A_2, %scan3A_171 = %broadcast_in_dim3A_2, %scan3A_172 = %broadcast_in_dim3A_2, %scan3A_173 = %broadcast_in_dim3A_2, %scan3A_174 = %broadcast_in_dim3A_2, %scan3A_175 = %broadcast_in_dim3A_2) -> (vector<16xf32>, vector<16xf32>, vector<16xf32>, vector<16xf32>, vector<16xf32>, vector<16xf32>, vector<16xf32>, vector<16xf32>)  : i32 {
        %broadcast_in_dim3A_176 = vector.broadcast %scan3A_167 : i32 to vector<16xi32>
        %add3A_177 = arith.constant 0 : i32
        %add3A_178 = vector.broadcast %add3A_177 : i32 to vector<16xi32>
        %add3A_179 = arith.addi %iota3A, %add3A_178 : vector<16xi32>
        %gather3A = tpu.vector_load_idx %arg11[%broadcast_in_dim3A_176, %add3A_179] : memref<16x128xf32, #tpu.memory_space<vmem>>[vector<16xi32>, vector<16xi32>], vector<16xf32>,
        %add3A_180 = arith.addf %scan3A_168, %gather3A : vector<16xf32>
        %add3A_181 = arith.constant 16 : i32
        %add3A_182 = vector.broadcast %add3A_181 : i32 to vector<16xi32>
        %add3A_183 = arith.addi %iota3A, %add3A_182 : vector<16xi32>
        %gather3A_184 = tpu.vector_load_idx %arg11[%broadcast_in_dim3A_176, %add3A_183] : memref<16x128xf32, #tpu.memory_space<vmem>>[vector<16xi32>, vector<16xi32>], vector<16xf32>,
        %add3A_185 = arith.addf %scan3A_169, %gather3A_184 : vector<16xf32>
        %add3A_186 = arith.constant 32 : i32
        %add3A_187 = vector.broadcast %add3A_186 : i32 to vector<16xi32>
        %add3A_188 = arith.addi %iota3A, %add3A_187 : vector<16xi32>
        %gather3A_189 = tpu.vector_load_idx %arg11[%broadcast_in_dim3A_176, %add3A_188] : memref<16x128xf32, #tpu.memory_space<vmem>>[vector<16xi32>, vector<16xi32>], vector<16xf32>,
        %add3A_190 = arith.addf %scan3A_170, %gather3A_189 : vector<16xf32>
        %add3A_191 = arith.constant 48 : i32
        %add3A_192 = vector.broadcast %add3A_191 : i32 to vector<16xi32>
        %add3A_193 = arith.addi %iota3A, %add3A_192 : vector<16xi32>
        %gather3A_194 = tpu.vector_load_idx %arg11[%broadcast_in_dim3A_176, %add3A_193] : memref<16x128xf32, #tpu.memory_space<vmem>>[vector<16xi32>, vector<16xi32>], vector<16xf32>,
        %add3A_195 = arith.addf %scan3A_171, %gather3A_194 : vector<16xf32>
        %add3A_196 = arith.constant 64 : i32
        %add3A_197 = vector.broadcast %add3A_196 : i32 to vector<16xi32>
        %add3A_198 = arith.addi %iota3A, %add3A_197 : vector<16xi32>
        %gather3A_199 = tpu.vector_load_idx %arg11[%broadcast_in_dim3A_176, %add3A_198] : memref<16x128xf32, #tpu.memory_space<vmem>>[vector<16xi32>, vector<16xi32>], vector<16xf32>,
        %add3A_200 = arith.addf %scan3A_172, %gather3A_199 : vector<16xf32>
        %add3A_201 = arith.constant 80 : i32
        %add3A_202 = vector.broadcast %add3A_201 : i32 to vector<16xi32>
        %add3A_203 = arith.addi %iota3A, %add3A_202 : vector<16xi32>
        %gather3A_204 = tpu.vector_load_idx %arg11[%broadcast_in_dim3A_176, %add3A_203] : memref<16x128xf32, #tpu.memory_space<vmem>>[vector<16xi32>, vector<16xi32>], vector<16xf32>,
        %add3A_205 = arith.addf %scan3A_173, %gather3A_204 : vector<16xf32>
        %add3A_206 = arith.constant 96 : i32
        %add3A_207 = vector.broadcast %add3A_206 : i32 to vector<16xi32>
        %add3A_208 = arith.addi %iota3A, %add3A_207 : vector<16xi32>
        %gather3A_209 = tpu.vector_load_idx %arg11[%broadcast_in_dim3A_176, %add3A_208] : memref<16x128xf32, #tpu.memory_space<vmem>>[vector<16xi32>, vector<16xi32>], vector<16xf32>,
        %add3A_210 = arith.addf %scan3A_174, %gather3A_209 : vector<16xf32>
        %add3A_211 = arith.constant 112 : i32
        %add3A_212 = vector.broadcast %add3A_211 : i32 to vector<16xi32>
        %add3A_213 = arith.addi %iota3A, %add3A_212 : vector<16xi32>
        %gather3A_214 = tpu.vector_load_idx %arg11[%broadcast_in_dim3A_176, %add3A_213] : memref<16x128xf32, #tpu.memory_space<vmem>>[vector<16xi32>, vector<16xi32>], vector<16xf32>,
        %add3A_215 = arith.addf %scan3A_175, %gather3A_214 : vector<16xf32>
        %scan3A_216 = arith.constant 1 : i32
        %scan3A_217 = arith.addi %scan3A_167, %scan3A_216 : i32
        %broadcast_in_dim3A_218 = vector.broadcast %scan3A_217 : i32 to vector<16xi32>
        %add3A_219 = arith.constant 0 : i32
        %add3A_220 = vector.broadcast %add3A_219 : i32 to vector<16xi32>
        %add3A_221 = arith.addi %iota3A, %add3A_220 : vector<16xi32>
        %gather3A_222 = tpu.vector_load_idx %arg11[%broadcast_in_dim3A_218, %add3A_221] : memref<16x128xf32, #tpu.memory_space<vmem>>[vector<16xi32>, vector<16xi32>], vector<16xf32>,
        %add3A_223 = arith.addf %add3A_180, %gather3A_222 : vector<16xf32>
        %add3A_224 = arith.constant 16 : i32
        %add3A_225 = vector.broadcast %add3A_224 : i32 to vector<16xi32>
        %add3A_226 = arith.addi %iota3A, %add3A_225 : vector<16xi32>
        %gather3A_227 = tpu.vector_load_idx %arg11[%broadcast_in_dim3A_218, %add3A_226] : memref<16x128xf32, #tpu.memory_space<vmem>>[vector<16xi32>, vector<16xi32>], vector<16xf32>,
        %add3A_228 = arith.addf %add3A_185, %gather3A_227 : vector<16xf32>
        %add3A_229 = arith.constant 32 : i32
        %add3A_230 = vector.broadcast %add3A_229 : i32 to vector<16xi32>
        %add3A_231 = arith.addi %iota3A, %add3A_230 : vector<16xi32>
        %gather3A_232 = tpu.vector_load_idx %arg11[%broadcast_in_dim3A_218, %add3A_231] : memref<16x128xf32, #tpu.memory_space<vmem>>[vector<16xi32>, vector<16xi32>], vector<16xf32>,
        %add3A_233 = arith.addf %add3A_190, %gather3A_232 : vector<16xf32>
        %add3A_234 = arith.constant 48 : i32
        %add3A_235 = vector.broadcast %add3A_234 : i32 to vector<16xi32>
        %add3A_236 = arith.addi %iota3A, %add3A_235 : vector<16xi32>
        %gather3A_237 = tpu.vector_load_idx %arg11[%broadcast_in_dim3A_218, %add3A_236] : memref<16x128xf32, #tpu.memory_space<vmem>>[vector<16xi32>, vector<16xi32>], vector<16xf32>,
        %add3A_238 = arith.addf %add3A_195, %gather3A_237 : vector<16xf32>
        %add3A_239 = arith.constant 64 : i32
        %add3A_240 = vector.broadcast %add3A_239 : i32 to vector<16xi32>
        %add3A_241 = arith.addi %iota3A, %add3A_240 : vector<16xi32>
        %gather3A_242 = tpu.vector_load_idx %arg11[%broadcast_in_dim3A_218, %add3A_241] : memref<16x128xf32, #tpu.memory_space<vmem>>[vector<16xi32>, vector<16xi32>], vector<16xf32>,
        %add3A_243 = arith.addf %add3A_200, %gather3A_242 : vector<16xf32>
        %add3A_244 = arith.constant 80 : i32
        %add3A_245 = vector.broadcast %add3A_244 : i32 to vector<16xi32>
        %add3A_246 = arith.addi %iota3A, %add3A_245 : vector<16xi32>
        %gather3A_247 = tpu.vector_load_idx %arg11[%broadcast_in_dim3A_218, %add3A_246] : memref<16x128xf32, #tpu.memory_space<vmem>>[vector<16xi32>, vector<16xi32>], vector<16xf32>,
        %add3A_248 = arith.addf %add3A_205, %gather3A_247 : vector<16xf32>
        %add3A_249 = arith.constant 96 : i32
        %add3A_250 = vector.broadcast %add3A_249 : i32 to vector<16xi32>
        %add3A_251 = arith.addi %iota3A, %add3A_250 : vector<16xi32>
        %gather3A_252 = tpu.vector_load_idx %arg11[%broadcast_in_dim3A_218, %add3A_251] : memref<16x128xf32, #tpu.memory_space<vmem>>[vector<16xi32>, vector<16xi32>], vector<16xf32>,
        %add3A_253 = arith.addf %add3A_210, %gather3A_252 : vector<16xf32>
        %add3A_254 = arith.constant 112 : i32
        %add3A_255 = vector.broadcast %add3A_254 : i32 to vector<16xi32>
        %add3A_256 = arith.addi %iota3A, %add3A_255 : vector<16xi32>
        %gather3A_257 = tpu.vector_load_idx %arg11[%broadcast_in_dim3A_218, %add3A_256] : memref<16x128xf32, #tpu.memory_space<vmem>>[vector<16xi32>, vector<16xi32>], vector<16xf32>,
        %add3A_258 = arith.addf %add3A_215, %gather3A_257 : vector<16xf32>
        %scan3A_259 = arith.constant 2 : i32
        %scan3A_260 = arith.addi %scan3A_167, %scan3A_259 : i32
        %broadcast_in_dim3A_261 = vector.broadcast %scan3A_260 : i32 to vector<16xi32>
        %add3A_262 = arith.constant 0 : i32
        %add3A_263 = vector.broadcast %add3A_262 : i32 to vector<16xi32>
        %add3A_264 = arith.addi %iota3A, %add3A_263 : vector<16xi32>
        %gather3A_265 = tpu.vector_load_idx %arg11[%broadcast_in_dim3A_261, %add3A_264] : memref<16x128xf32, #tpu.memory_space<vmem>>[vector<16xi32>, vector<16xi32>], vector<16xf32>,
        %add3A_266 = arith.addf %add3A_223, %gather3A_265 : vector<16xf32>
        %add3A_267 = arith.constant 16 : i32
        %add3A_268 = vector.broadcast %add3A_267 : i32 to vector<16xi32>
        %add3A_269 = arith.addi %iota3A, %add3A_268 : vector<16xi32>
        %gather3A_270 = tpu.vector_load_idx %arg11[%broadcast_in_dim3A_261, %add3A_269] : memref<16x128xf32, #tpu.memory_space<vmem>>[vector<16xi32>, vector<16xi32>], vector<16xf32>,
        %add3A_271 = arith.addf %add3A_228, %gather3A_270 : vector<16xf32>
        %add3A_272 = arith.constant 32 : i32
        %add3A_273 = vector.broadcast %add3A_272 : i32 to vector<16xi32>
        %add3A_274 = arith.addi %iota3A, %add3A_273 : vector<16xi32>
        %gather3A_275 = tpu.vector_load_idx %arg11[%broadcast_in_dim3A_261, %add3A_274] : memref<16x128xf32, #tpu.memory_space<vmem>>[vector<16xi32>, vector<16xi32>], vector<16xf32>,
        %add3A_276 = arith.addf %add3A_233, %gather3A_275 : vector<16xf32>
        %add3A_277 = arith.constant 48 : i32
        %add3A_278 = vector.broadcast %add3A_277 : i32 to vector<16xi32>
        %add3A_279 = arith.addi %iota3A, %add3A_278 : vector<16xi32>
        %gather3A_280 = tpu.vector_load_idx %arg11[%broadcast_in_dim3A_261, %add3A_279] : memref<16x128xf32, #tpu.memory_space<vmem>>[vector<16xi32>, vector<16xi32>], vector<16xf32>,
        %add3A_281 = arith.addf %add3A_238, %gather3A_280 : vector<16xf32>
        %add3A_282 = arith.constant 64 : i32
        %add3A_283 = vector.broadcast %add3A_282 : i32 to vector<16xi32>
        %add3A_284 = arith.addi %iota3A, %add3A_283 : vector<16xi32>
        %gather3A_285 = tpu.vector_load_idx %arg11[%broadcast_in_dim3A_261, %add3A_284] : memref<16x128xf32, #tpu.memory_space<vmem>>[vector<16xi32>, vector<16xi32>], vector<16xf32>,
        %add3A_286 = arith.addf %add3A_243, %gather3A_285 : vector<16xf32>
        %add3A_287 = arith.constant 80 : i32
        %add3A_288 = vector.broadcast %add3A_287 : i32 to vector<16xi32>
        %add3A_289 = arith.addi %iota3A, %add3A_288 : vector<16xi32>
        %gather3A_290 = tpu.vector_load_idx %arg11[%broadcast_in_dim3A_261, %add3A_289] : memref<16x128xf32, #tpu.memory_space<vmem>>[vector<16xi32>, vector<16xi32>], vector<16xf32>,
        %add3A_291 = arith.addf %add3A_248, %gather3A_290 : vector<16xf32>
        %add3A_292 = arith.constant 96 : i32
        %add3A_293 = vector.broadcast %add3A_292 : i32 to vector<16xi32>
        %add3A_294 = arith.addi %iota3A, %add3A_293 : vector<16xi32>
        %gather3A_295 = tpu.vector_load_idx %arg11[%broadcast_in_dim3A_261, %add3A_294] : memref<16x128xf32, #tpu.memory_space<vmem>>[vector<16xi32>, vector<16xi32>], vector<16xf32>,
        %add3A_296 = arith.addf %add3A_253, %gather3A_295 : vector<16xf32>
        %add3A_297 = arith.constant 112 : i32
        %add3A_298 = vector.broadcast %add3A_297 : i32 to vector<16xi32>
        %add3A_299 = arith.addi %iota3A, %add3A_298 : vector<16xi32>
        %gather3A_300 = tpu.vector_load_idx %arg11[%broadcast_in_dim3A_261, %add3A_299] : memref<16x128xf32, #tpu.memory_space<vmem>>[vector<16xi32>, vector<16xi32>], vector<16xf32>,
        %add3A_301 = arith.addf %add3A_258, %gather3A_300 : vector<16xf32>
        %scan3A_302 = arith.constant 3 : i32
        %scan3A_303 = arith.addi %scan3A_167, %scan3A_302 : i32
        %broadcast_in_dim3A_304 = vector.broadcast %scan3A_303 : i32 to vector<16xi32>
        %add3A_305 = arith.constant 0 : i32
        %add3A_306 = vector.broadcast %add3A_305 : i32 to vector<16xi32>
        %add3A_307 = arith.addi %iota3A, %add3A_306 : vector<16xi32>
        %gather3A_308 = tpu.vector_load_idx %arg11[%broadcast_in_dim3A_304, %add3A_307] : memref<16x128xf32, #tpu.memory_space<vmem>>[vector<16xi32>, vector<16xi32>], vector<16xf32>,
        %add3A_309 = arith.addf %add3A_266, %gather3A_308 : vector<16xf32>
        %add3A_310 = arith.constant 16 : i32
        %add3A_311 = vector.broadcast %add3A_310 : i32 to vector<16xi32>
        %add3A_312 = arith.addi %iota3A, %add3A_311 : vector<16xi32>
        %gather3A_313 = tpu.vector_load_idx %arg11[%broadcast_in_dim3A_304, %add3A_312] : memref<16x128xf32, #tpu.memory_space<vmem>>[vector<16xi32>, vector<16xi32>], vector<16xf32>,
        %add3A_314 = arith.addf %add3A_271, %gather3A_313 : vector<16xf32>
        %add3A_315 = arith.constant 32 : i32
        %add3A_316 = vector.broadcast %add3A_315 : i32 to vector<16xi32>
        %add3A_317 = arith.addi %iota3A, %add3A_316 : vector<16xi32>
        %gather3A_318 = tpu.vector_load_idx %arg11[%broadcast_in_dim3A_304, %add3A_317] : memref<16x128xf32, #tpu.memory_space<vmem>>[vector<16xi32>, vector<16xi32>], vector<16xf32>,
        %add3A_319 = arith.addf %add3A_276, %gather3A_318 : vector<16xf32>
        %add3A_320 = arith.constant 48 : i32
        %add3A_321 = vector.broadcast %add3A_320 : i32 to vector<16xi32>
        %add3A_322 = arith.addi %iota3A, %add3A_321 : vector<16xi32>
        %gather3A_323 = tpu.vector_load_idx %arg11[%broadcast_in_dim3A_304, %add3A_322] : memref<16x128xf32, #tpu.memory_space<vmem>>[vector<16xi32>, vector<16xi32>], vector<16xf32>,
        %add3A_324 = arith.addf %add3A_281, %gather3A_323 : vector<16xf32>
        %add3A_325 = arith.constant 64 : i32
        %add3A_326 = vector.broadcast %add3A_325 : i32 to vector<16xi32>
        %add3A_327 = arith.addi %iota3A, %add3A_326 : vector<16xi32>
        %gather3A_328 = tpu.vector_load_idx %arg11[%broadcast_in_dim3A_304, %add3A_327] : memref<16x128xf32, #tpu.memory_space<vmem>>[vector<16xi32>, vector<16xi32>], vector<16xf32>,
        %add3A_329 = arith.addf %add3A_286, %gather3A_328 : vector<16xf32>
        %add3A_330 = arith.constant 80 : i32
        %add3A_331 = vector.broadcast %add3A_330 : i32 to vector<16xi32>
        %add3A_332 = arith.addi %iota3A, %add3A_331 : vector<16xi32>
        %gather3A_333 = tpu.vector_load_idx %arg11[%broadcast_in_dim3A_304, %add3A_332] : memref<16x128xf32, #tpu.memory_space<vmem>>[vector<16xi32>, vector<16xi32>], vector<16xf32>,
        %add3A_334 = arith.addf %add3A_291, %gather3A_333 : vector<16xf32>
        %add3A_335 = arith.constant 96 : i32
        %add3A_336 = vector.broadcast %add3A_335 : i32 to vector<16xi32>
        %add3A_337 = arith.addi %iota3A, %add3A_336 : vector<16xi32>
        %gather3A_338 = tpu.vector_load_idx %arg11[%broadcast_in_dim3A_304, %add3A_337] : memref<16x128xf32, #tpu.memory_space<vmem>>[vector<16xi32>, vector<16xi32>], vector<16xf32>,
        %add3A_339 = arith.addf %add3A_296, %gather3A_338 : vector<16xf32>
        %add3A_340 = arith.constant 112 : i32
        %add3A_341 = vector.broadcast %add3A_340 : i32 to vector<16xi32>
        %add3A_342 = arith.addi %iota3A, %add3A_341 : vector<16xi32>
        %gather3A_343 = tpu.vector_load_idx %arg11[%broadcast_in_dim3A_304, %add3A_342] : memref<16x128xf32, #tpu.memory_space<vmem>>[vector<16xi32>, vector<16xi32>], vector<16xf32>,
        %add3A_344 = arith.addf %add3A_301, %gather3A_343 : vector<16xf32>
        scf.yield %add3A_309, %add3A_314, %add3A_319, %add3A_324, %add3A_329, %add3A_334, %add3A_339, %add3A_344 : vector<16xf32>, vector<16xf32>, vector<16xf32>, vector<16xf32>, vector<16xf32>, vector<16xf32>, vector<16xf32>, vector<16xf32>
      }
      %scan3A_49 = arith.constant 16 : i32
      %swap3A_50 = arith.constant 0 : index
      %swap3A_51 = tpu.vector_load %arg12[%swap3A_50] {strides = array<i32>} : memref<128xf32, #tpu.memory_space<vmem>>, vector<16xf32>,
      tpu.vector_store %arg12[%swap3A_50], %scan3A_48#0 {strides = array<i32>} : memref<128xf32, #tpu.memory_space<vmem>>, vector<16xf32>,
      %swap3A_52 = arith.constant 16 : index
      %swap3A_53 = tpu.vector_load %arg12[%swap3A_52] {strides = array<i32>} : memref<128xf32, #tpu.memory_space<vmem>>, vector<16xf32>,
      tpu.vector_store %arg12[%swap3A_52], %scan3A_48#1 {strides = array<i32>} : memref<128xf32, #tpu.memory_space<vmem>>, vector<16xf32>,
      %swap3A_54 = arith.constant 32 : index
      %swap3A_55 = tpu.vector_load %arg12[%swap3A_54] {strides = array<i32>} : memref<128xf32, #tpu.memory_space<vmem>>, vector<16xf32>,
      tpu.vector_store %arg12[%swap3A_54], %scan3A_48#2 {strides = array<i32>} : memref<128xf32, #tpu.memory_space<vmem>>, vector<16xf32>,
      %swap3A_56 = arith.constant 48 : index
      %swap3A_57 = tpu.vector_load %arg12[%swap3A_56] {strides = array<i32>} : memref<128xf32, #tpu.memory_space<vmem>>, vector<16xf32>,
      tpu.vector_store %arg12[%swap3A_56], %scan3A_48#3 {strides = array<i32>} : memref<128xf32, #tpu.memory_space<vmem>>, vector<16xf32>,
      %swap3A_58 = arith.constant 64 : index
      %swap3A_59 = tpu.vector_load %arg12[%swap3A_58] {strides = array<i32>} : memref<128xf32, #tpu.memory_space<vmem>>, vector<16xf32>,
      tpu.vector_store %arg12[%swap3A_58], %scan3A_48#4 {strides = array<i32>} : memref<128xf32, #tpu.memory_space<vmem>>, vector<16xf32>,
      %swap3A_60 = arith.constant 80 : index
      %swap3A_61 = tpu.vector_load %arg12[%swap3A_60] {strides = array<i32>} : memref<128xf32, #tpu.memory_space<vmem>>, vector<16xf32>,
      tpu.vector_store %arg12[%swap3A_60], %scan3A_48#5 {strides = array<i32>} : memref<128xf32, #tpu.memory_space<vmem>>, vector<16xf32>,
      %swap3A_62 = arith.constant 96 : index
      %swap3A_63 = tpu.vector_load %arg12[%swap3A_62] {strides = array<i32>} : memref<128xf32, #tpu.memory_space<vmem>>, vector<16xf32>,
      tpu.vector_store %arg12[%swap3A_62], %scan3A_48#6 {strides = array<i32>} : memref<128xf32, #tpu.memory_space<vmem>>, vector<16xf32>,
      %swap3A_64 = arith.constant 112 : index
      %swap3A_65 = tpu.vector_load %arg12[%swap3A_64] {strides = array<i32>} : memref<128xf32, #tpu.memory_space<vmem>>, vector<16xf32>,
      tpu.vector_store %arg12[%swap3A_64], %scan3A_48#7 {strides = array<i32>} : memref<128xf32, #tpu.memory_space<vmem>>, vector<16xf32>,
      %dma_wait3A_66 = arith.constant 0 : i32
      %dma_wait3A_67 = tpu.memref_slice %arg3[%dma_wait3A_66, %mul3A_10] : memref<64x512xf32, #tpu.memory_space<hbm>> -> memref<64x32xf32, #tpu.memory_space<hbm>>
      %dma_wait3A_68 = arith.constant 0 : i32
      %dma_wait3A_69 = tpu.memref_slice %arg3[%dma_wait3A_68, %mul3A_10] : memref<64x512xf32, #tpu.memory_space<hbm>> -> memref<64x32xf32, #tpu.memory_space<hbm>>
      tpu.wait_dma2 semaphore(%arg19 : memref<!tpu.dma_semaphore, #tpu.memory_space<semaphore_mem>>) src(%dma_wait3A_69 : memref<64x32xf32, #tpu.memory_space<hbm>>) dst(%arg7 : memref<64x32xf32, #tpu.memory_space<vmem>>)
      %broadcast_in_dim3A_70 = arith.constant 3.400000e+38 : f32
      %broadcast_in_dim3A_71 = vector.broadcast %broadcast_in_dim3A_70 : f32 to vector<16xf32>
      %scan3A_72 = arith.constant 0 : i32
      %scan3A_73 = arith.constant 64 : i32
      %scan3A_74 = arith.addi %scan3A_72, %scan3A_73 : i32
      %scan3A_75 = arith.constant 2 : i32
      %scan3A_76:8 = scf.for %scan3A_167 = %scan3A_72 to %scan3A_74 step %scan3A_75 iter_args(%scan3A_168 = %broadcast_in_dim3A_71, %scan3A_169 = %broadcast_in_dim3A_4, %scan3A_170 = %broadcast_in_dim3A_71, %scan3A_171 = %broadcast_in_dim3A_4, %scan3A_172 = %broadcast_in_dim3A_71, %scan3A_173 = %broadcast_in_dim3A_4, %scan3A_174 = %broadcast_in_dim3A_71, %scan3A_175 = %broadcast_in_dim3A_4) -> (vector<16xf32>, vector<16xi32>, vector<16xf32>, vector<16xi32>, vector<16xf32>, vector<16xi32>, vector<16xf32>, vector<16xi32>)  : i32 {
        %broadcast_in_dim3A_176 = vector.broadcast %scan3A_167 : i32 to vector<16xi32>
        %gather3A = tpu.vector_load_idx %arg12[%broadcast_in_dim3A_176] : memref<128xf32, #tpu.memory_space<vmem>>[vector<16xi32>], vector<16xf32>,
        %add3A_177 = arith.constant 64 : i32
        %add3A_178 = vector.broadcast %add3A_177 : i32 to vector<16xi32>
        %add3A_179 = arith.addi %broadcast_in_dim3A_176, %add3A_178 : vector<16xi32>
        %gather3A_180 = tpu.vector_load_idx %arg12[%add3A_179] : memref<128xf32, #tpu.memory_space<vmem>>[vector<16xi32>], vector<16xf32>,
        %mul3A_181 = arith.constant 2.000000e+00 : f32
        %mul3A_182 = vector.broadcast %mul3A_181 : f32 to vector<16xf32>
        %mul3A_183 = arith.mulf %mul3A_182, %gather3A : vector<16xf32>
        %add3A_184 = arith.constant 0 : i32
        %add3A_185 = vector.broadcast %add3A_184 : i32 to vector<16xi32>
        %add3A_186 = arith.addi %iota3A, %add3A_185 : vector<16xi32>
        %gather3A_187 = tpu.vector_load_idx %arg7[%broadcast_in_dim3A_176, %add3A_186] : memref<64x32xf32, #tpu.memory_space<vmem>>[vector<16xi32>, vector<16xi32>], vector<16xf32>,
        %mul3A_188 = arith.mulf %mul3A_183, %gather3A_187 : vector<16xf32>
        %sub3A_189 = arith.subf %gather3A_180, %mul3A_188 : vector<16xf32>
        %mul3A_190 = arith.mulf %gather3A_187, %gather3A_187 : vector<16xf32>
        %mul3A_191 = arith.constant 5.120000e+02 : f32
        %mul3A_192 = vector.broadcast %mul3A_191 : f32 to vector<16xf32>
        %mul3A_193 = arith.mulf %mul3A_192, %mul3A_190 : vector<16xf32>
        %add3A_194 = arith.addf %sub3A_189, %mul3A_193 : vector<16xf32>
        %lt3A_195 = arith.cmpf olt, %add3A_194, %scan3A_168 : vector<16xf32>
        %lt3A_196 = arith.cmpf olt, %add3A_194, %scan3A_170 : vector<16xf32>
        %not3A = arith.constant dense<true> : vector<16xi1>
        %not3A_197 = arith.xori %lt3A_195, %not3A : vector<16xi1>
        %and3A = arith.andi %lt3A_196, %not3A_197 : vector<16xi1>
        %select_n3A = arith.select %lt3A_195, %add3A_194, %scan3A_168 : vector<16xi1>, vector<16xf32>
        %select_n3A_198 = arith.select %lt3A_195, %broadcast_in_dim3A_176, %scan3A_169 : vector<16xi1>, vector<16xi32>
        %select_n3A_199 = arith.select %and3A, %add3A_194, %scan3A_170 : vector<16xi1>, vector<16xf32>
        %select_n3A_200 = arith.select %lt3A_195, %scan3A_168, %select_n3A_199 : vector<16xi1>, vector<16xf32>
        %select_n3A_201 = arith.select %and3A, %broadcast_in_dim3A_176, %scan3A_171 : vector<16xi1>, vector<16xi32>
        %select_n3A_202 = arith.select %lt3A_195, %scan3A_169, %select_n3A_201 : vector<16xi1>, vector<16xi32>
        %add3A_203 = arith.constant 16 : i32
        %add3A_204 = vector.broadcast %add3A_203 : i32 to vector<16xi32>
        %add3A_205 = arith.addi %iota3A, %add3A_204 : vector<16xi32>
        %gather3A_206 = tpu.vector_load_idx %arg7[%broadcast_in_dim3A_176, %add3A_205] : memref<64x32xf32, #tpu.memory_space<vmem>>[vector<16xi32>, vector<16xi32>], vector<16xf32>,
        %mul3A_207 = arith.mulf %mul3A_183, %gather3A_206 : vector<16xf32>
        %sub3A_208 = arith.subf %gather3A_180, %mul3A_207 : vector<16xf32>
        %mul3A_209 = arith.mulf %gather3A_206, %gather3A_206 : vector<16xf32>
        %mul3A_210 = arith.constant 5.120000e+02 : f32
        %mul3A_211 = vector.broadcast %mul3A_210 : f32 to vector<16xf32>
        %mul3A_212 = arith.mulf %mul3A_211, %mul3A_209 : vector<16xf32>
        %add3A_213 = arith.addf %sub3A_208, %mul3A_212 : vector<16xf32>
        %lt3A_214 = arith.cmpf olt, %add3A_213, %scan3A_172 : vector<16xf32>
        %lt3A_215 = arith.cmpf olt, %add3A_213, %scan3A_174 : vector<16xf32>
        %not3A_216 = arith.constant dense<true> : vector<16xi1>
        %not3A_217 = arith.xori %lt3A_214, %not3A_216 : vector<16xi1>
        %and3A_218 = arith.andi %lt3A_215, %not3A_217 : vector<16xi1>
        %select_n3A_219 = arith.select %lt3A_214, %add3A_213, %scan3A_172 : vector<16xi1>, vector<16xf32>
        %select_n3A_220 = arith.select %lt3A_214, %broadcast_in_dim3A_176, %scan3A_173 : vector<16xi1>, vector<16xi32>
        %select_n3A_221 = arith.select %and3A_218, %add3A_213, %scan3A_174 : vector<16xi1>, vector<16xf32>
        %select_n3A_222 = arith.select %lt3A_214, %scan3A_172, %select_n3A_221 : vector<16xi1>, vector<16xf32>
        %select_n3A_223 = arith.select %and3A_218, %broadcast_in_dim3A_176, %scan3A_175 : vector<16xi1>, vector<16xi32>
        %select_n3A_224 = arith.select %lt3A_214, %scan3A_173, %select_n3A_223 : vector<16xi1>, vector<16xi32>
        %scan3A_225 = arith.constant 1 : i32
        %scan3A_226 = arith.addi %scan3A_167, %scan3A_225 : i32
        %broadcast_in_dim3A_227 = vector.broadcast %scan3A_226 : i32 to vector<16xi32>
        %gather3A_228 = tpu.vector_load_idx %arg12[%broadcast_in_dim3A_227] : memref<128xf32, #tpu.memory_space<vmem>>[vector<16xi32>], vector<16xf32>,
        %add3A_229 = arith.constant 64 : i32
        %add3A_230 = vector.broadcast %add3A_229 : i32 to vector<16xi32>
        %add3A_231 = arith.addi %broadcast_in_dim3A_227, %add3A_230 : vector<16xi32>
        %gather3A_232 = tpu.vector_load_idx %arg12[%add3A_231] : memref<128xf32, #tpu.memory_space<vmem>>[vector<16xi32>], vector<16xf32>,
        %mul3A_233 = arith.constant 2.000000e+00 : f32
        %mul3A_234 = vector.broadcast %mul3A_233 : f32 to vector<16xf32>
        %mul3A_235 = arith.mulf %mul3A_234, %gather3A_228 : vector<16xf32>
        %add3A_236 = arith.constant 0 : i32
        %add3A_237 = vector.broadcast %add3A_236 : i32 to vector<16xi32>
        %add3A_238 = arith.addi %iota3A, %add3A_237 : vector<16xi32>
        %gather3A_239 = tpu.vector_load_idx %arg7[%broadcast_in_dim3A_227, %add3A_238] : memref<64x32xf32, #tpu.memory_space<vmem>>[vector<16xi32>, vector<16xi32>], vector<16xf32>,
        %mul3A_240 = arith.mulf %mul3A_235, %gather3A_239 : vector<16xf32>
        %sub3A_241 = arith.subf %gather3A_232, %mul3A_240 : vector<16xf32>
        %mul3A_242 = arith.mulf %gather3A_239, %gather3A_239 : vector<16xf32>
        %mul3A_243 = arith.constant 5.120000e+02 : f32
        %mul3A_244 = vector.broadcast %mul3A_243 : f32 to vector<16xf32>
        %mul3A_245 = arith.mulf %mul3A_244, %mul3A_242 : vector<16xf32>
        %add3A_246 = arith.addf %sub3A_241, %mul3A_245 : vector<16xf32>
        %lt3A_247 = arith.cmpf olt, %add3A_246, %select_n3A : vector<16xf32>
        %lt3A_248 = arith.cmpf olt, %add3A_246, %select_n3A_200 : vector<16xf32>
        %not3A_249 = arith.constant dense<true> : vector<16xi1>
        %not3A_250 = arith.xori %lt3A_247, %not3A_249 : vector<16xi1>
        %and3A_251 = arith.andi %lt3A_248, %not3A_250 : vector<16xi1>
        %select_n3A_252 = arith.select %lt3A_247, %add3A_246, %select_n3A : vector<16xi1>, vector<16xf32>
        %select_n3A_253 = arith.select %lt3A_247, %broadcast_in_dim3A_227, %select_n3A_198 : vector<16xi1>, vector<16xi32>
        %select_n3A_254 = arith.select %and3A_251, %add3A_246, %select_n3A_200 : vector<16xi1>, vector<16xf32>
        %select_n3A_255 = arith.select %lt3A_247, %select_n3A, %select_n3A_254 : vector<16xi1>, vector<16xf32>
        %select_n3A_256 = arith.select %and3A_251, %broadcast_in_dim3A_227, %select_n3A_202 : vector<16xi1>, vector<16xi32>
        %select_n3A_257 = arith.select %lt3A_247, %select_n3A_198, %select_n3A_256 : vector<16xi1>, vector<16xi32>
        %add3A_258 = arith.constant 16 : i32
        %add3A_259 = vector.broadcast %add3A_258 : i32 to vector<16xi32>
        %add3A_260 = arith.addi %iota3A, %add3A_259 : vector<16xi32>
        %gather3A_261 = tpu.vector_load_idx %arg7[%broadcast_in_dim3A_227, %add3A_260] : memref<64x32xf32, #tpu.memory_space<vmem>>[vector<16xi32>, vector<16xi32>], vector<16xf32>,
        %mul3A_262 = arith.mulf %mul3A_235, %gather3A_261 : vector<16xf32>
        %sub3A_263 = arith.subf %gather3A_232, %mul3A_262 : vector<16xf32>
        %mul3A_264 = arith.mulf %gather3A_261, %gather3A_261 : vector<16xf32>
        %mul3A_265 = arith.constant 5.120000e+02 : f32
        %mul3A_266 = vector.broadcast %mul3A_265 : f32 to vector<16xf32>
        %mul3A_267 = arith.mulf %mul3A_266, %mul3A_264 : vector<16xf32>
        %add3A_268 = arith.addf %sub3A_263, %mul3A_267 : vector<16xf32>
        %lt3A_269 = arith.cmpf olt, %add3A_268, %select_n3A_219 : vector<16xf32>
        %lt3A_270 = arith.cmpf olt, %add3A_268, %select_n3A_222 : vector<16xf32>
        %not3A_271 = arith.constant dense<true> : vector<16xi1>
        %not3A_272 = arith.xori %lt3A_269, %not3A_271 : vector<16xi1>
        %and3A_273 = arith.andi %lt3A_270, %not3A_272 : vector<16xi1>
        %select_n3A_274 = arith.select %lt3A_269, %add3A_268, %select_n3A_219 : vector<16xi1>, vector<16xf32>
        %select_n3A_275 = arith.select %lt3A_269, %broadcast_in_dim3A_227, %select_n3A_220 : vector<16xi1>, vector<16xi32>
        %select_n3A_276 = arith.select %and3A_273, %add3A_268, %select_n3A_222 : vector<16xi1>, vector<16xf32>
        %select_n3A_277 = arith.select %lt3A_269, %select_n3A_219, %select_n3A_276 : vector<16xi1>, vector<16xf32>
        %select_n3A_278 = arith.select %and3A_273, %broadcast_in_dim3A_227, %select_n3A_224 : vector<16xi1>, vector<16xi32>
        %select_n3A_279 = arith.select %lt3A_269, %select_n3A_220, %select_n3A_278 : vector<16xi1>, vector<16xi32>
        scf.yield %select_n3A_252, %select_n3A_253, %select_n3A_255, %select_n3A_257, %select_n3A_274, %select_n3A_275, %select_n3A_277, %select_n3A_279 : vector<16xf32>, vector<16xi32>, vector<16xf32>, vector<16xi32>, vector<16xf32>, vector<16xi32>, vector<16xf32>, vector<16xi32>
      }
      %scan3A_77 = arith.constant 64 : i32
      %swap3A_78 = arith.constant 0 : index
      %swap3A_79 = tpu.vector_load %arg16[%swap3A_78] {strides = array<i32>} : memref<32xi32, #tpu.memory_space<vmem>>, vector<16xi32>,
      tpu.vector_store %arg16[%swap3A_78], %scan3A_76#1 {strides = array<i32>} : memref<32xi32, #tpu.memory_space<vmem>>, vector<16xi32>,
      %swap3A_80 = arith.constant 16 : index
      %swap3A_81 = tpu.vector_load %arg16[%swap3A_80] {strides = array<i32>} : memref<32xi32, #tpu.memory_space<vmem>>, vector<16xi32>,
      tpu.vector_store %arg16[%swap3A_80], %scan3A_76#5 {strides = array<i32>} : memref<32xi32, #tpu.memory_space<vmem>>, vector<16xi32>,
      %sub3A = arith.subf %scan3A_76#2, %scan3A_76#0 : vector<16xf32>
      %lt3A = arith.constant 2.000000e-03 : f32
      %lt3A_82 = vector.broadcast %lt3A : f32 to vector<16xf32>
      %lt3A_83 = arith.cmpf olt, %sub3A, %lt3A_82 : vector<16xf32>
      %sub3A_84 = arith.subf %scan3A_76#6, %scan3A_76#4 : vector<16xf32>
      %lt3A_85 = arith.constant 2.000000e-03 : f32
      %lt3A_86 = vector.broadcast %lt3A_85 : f32 to vector<16xf32>
      %lt3A_87 = arith.cmpf olt, %sub3A_84, %lt3A_86 : vector<16xf32>
      %or3A = arith.ori %lt3A_83, %lt3A_87 : vector<16xi1>
      %reduce_or3A = arith.constant 1.000000e+00 : f32
      %reduce_or3A_88 = arith.constant 0.000000e+00 : f32
      %reduce_or3A_89 = vector.broadcast %reduce_or3A : f32 to vector<16xf32>
      %reduce_or3A_90 = vector.broadcast %reduce_or3A_88 : f32 to vector<16xf32>
      %reduce_or3A_91 = arith.select %or3A, %reduce_or3A_89, %reduce_or3A_90 : vector<16xi1>, vector<16xf32>
      %reduce_or3A_92 = arith.constant true
      %reduce_or3A_93 = vector.broadcast %reduce_or3A_92 : i1 to vector<16xi1>
      %reduce_or3A_94 = tpu.scan <max>, %reduce_or3A_91 masked %reduce_or3A_93 : vector<16xf32>, vector<16xi1> -> vector<16xf32>
      %reduce_or3A_95 = vector.extract %reduce_or3A_94[15] : f32 from vector<16xf32>
      %reduce_or3A_96 = arith.constant 0.000000e+00 : f32
      %reduce_or3A_97 = arith.cmpf ogt, %reduce_or3A_95, %reduce_or3A_96 : f32
      %convert_element_type3A_98 = arith.extui %reduce_or3A_97 : i1 to i32
      %cond3A_99 = arith.constant 0 : i32
      %cond3A_100 = arith.cmpi ne, %convert_element_type3A_98, %cond3A_99 : i32
      scf.if %cond3A_100 {
        "tpu.region"() ({
          %run_scoped3A = tpu.sem_alloc : memref<!tpu.dma_semaphore, #tpu.memory_space<semaphore_mem>>
          tpu.enqueue_dma source(%arg2 : memref<64x512xf32, #tpu.memory_space<hbm>>) target(%arg17 : memref<64x512xf32, #tpu.memory_space<vmem>>) target_semaphore(%run_scoped3A : memref<!tpu.dma_semaphore, #tpu.memory_space<semaphore_mem>>)
          tpu.wait_dma2 semaphore(%run_scoped3A : memref<!tpu.dma_semaphore, #tpu.memory_space<semaphore_mem>>) src(%arg2 : memref<64x512xf32, #tpu.memory_space<hbm>>) dst(%arg17 : memref<64x512xf32, #tpu.memory_space<vmem>>)
          tpu.yield
        }) : () -> ()
        %add3A_167 = arith.constant 0 : i32
        %add3A_168 = vector.broadcast %add3A_167 : i32 to vector<16xi32>
        %add3A_169 = arith.addi %iota3A, %add3A_168 : vector<16xi32>
        %gather3A = tpu.vector_load_idx %arg7[%scan3A_76#1, %add3A_169] : memref<64x32xf32, #tpu.memory_space<vmem>>[vector<16xi32>, vector<16xi32>], vector<16xf32>,
        %add3A_170 = arith.constant 0 : i32
        %add3A_171 = vector.broadcast %add3A_170 : i32 to vector<16xi32>
        %add3A_172 = arith.addi %iota3A, %add3A_171 : vector<16xi32>
        %gather3A_173 = tpu.vector_load_idx %arg7[%scan3A_76#3, %add3A_172] : memref<64x32xf32, #tpu.memory_space<vmem>>[vector<16xi32>, vector<16xi32>], vector<16xf32>,
        %scan3A_174 = arith.constant 0 : i32
        %scan3A_175 = arith.constant 256 : i32
        %scan3A_176 = arith.addi %scan3A_174, %scan3A_175 : i32
        %scan3A_177 = arith.constant 4 : i32
        %scan3A_178:2 = scf.for %scan3A_226 = %scan3A_174 to %scan3A_176 step %scan3A_177 iter_args(%scan3A_227 = %broadcast_in_dim3A_2, %scan3A_228 = %broadcast_in_dim3A_2) -> (vector<16xf32>, vector<16xf32>)  : i32 {
          %broadcast_in_dim3A_229 = vector.broadcast %scan3A_226 : i32 to vector<16xi32>
          %gather3A_230 = tpu.vector_load_idx %arg17[%scan3A_76#1, %broadcast_in_dim3A_229] : memref<64x512xf32, #tpu.memory_space<vmem>>[vector<16xi32>, vector<16xi32>], vector<16xf32>,
          %gather3A_231 = tpu.vector_load_idx %arg17[%scan3A_76#3, %broadcast_in_dim3A_229] : memref<64x512xf32, #tpu.memory_space<vmem>>[vector<16xi32>, vector<16xi32>], vector<16xf32>,
          %sub3A_232 = arith.subf %gather3A_230, %gather3A : vector<16xf32>
          %sub3A_233 = arith.subf %gather3A_231, %gather3A_173 : vector<16xf32>
          %mul3A_234 = arith.mulf %sub3A_232, %sub3A_232 : vector<16xf32>
          %add3A_235 = arith.addf %scan3A_227, %mul3A_234 : vector<16xf32>
          %mul3A_236 = arith.mulf %sub3A_233, %sub3A_233 : vector<16xf32>
          %add3A_237 = arith.addf %scan3A_228, %mul3A_236 : vector<16xf32>
          %scan3A_238 = arith.constant 1 : i32
          %scan3A_239 = arith.addi %scan3A_226, %scan3A_238 : i32
          %broadcast_in_dim3A_240 = vector.broadcast %scan3A_239 : i32 to vector<16xi32>
          %gather3A_241 = tpu.vector_load_idx %arg17[%scan3A_76#1, %broadcast_in_dim3A_240] : memref<64x512xf32, #tpu.memory_space<vmem>>[vector<16xi32>, vector<16xi32>], vector<16xf32>,
          %gather3A_242 = tpu.vector_load_idx %arg17[%scan3A_76#3, %broadcast_in_dim3A_240] : memref<64x512xf32, #tpu.memory_space<vmem>>[vector<16xi32>, vector<16xi32>], vector<16xf32>,
          %sub3A_243 = arith.subf %gather3A_241, %gather3A : vector<16xf32>
          %sub3A_244 = arith.subf %gather3A_242, %gather3A_173 : vector<16xf32>
          %mul3A_245 = arith.mulf %sub3A_243, %sub3A_243 : vector<16xf32>
          %add3A_246 = arith.addf %add3A_235, %mul3A_245 : vector<16xf32>
          %mul3A_247 = arith.mulf %sub3A_244, %sub3A_244 : vector<16xf32>
          %add3A_248 = arith.addf %add3A_237, %mul3A_247 : vector<16xf32>
          %scan3A_249 = arith.constant 2 : i32
          %scan3A_250 = arith.addi %scan3A_226, %scan3A_249 : i32
          %broadcast_in_dim3A_251 = vector.broadcast %scan3A_250 : i32 to vector<16xi32>
          %gather3A_252 = tpu.vector_load_idx %arg17[%scan3A_76#1, %broadcast_in_dim3A_251] : memref<64x512xf32, #tpu.memory_space<vmem>>[vector<16xi32>, vector<16xi32>], vector<16xf32>,
          %gather3A_253 = tpu.vector_load_idx %arg17[%scan3A_76#3, %broadcast_in_dim3A_251] : memref<64x512xf32, #tpu.memory_space<vmem>>[vector<16xi32>, vector<16xi32>], vector<16xf32>,
          %sub3A_254 = arith.subf %gather3A_252, %gather3A : vector<16xf32>
          %sub3A_255 = arith.subf %gather3A_253, %gather3A_173 : vector<16xf32>
          %mul3A_256 = arith.mulf %sub3A_254, %sub3A_254 : vector<16xf32>
          %add3A_257 = arith.addf %add3A_246, %mul3A_256 : vector<16xf32>
          %mul3A_258 = arith.mulf %sub3A_255, %sub3A_255 : vector<16xf32>
          %add3A_259 = arith.addf %add3A_248, %mul3A_258 : vector<16xf32>
          %scan3A_260 = arith.constant 3 : i32
          %scan3A_261 = arith.addi %scan3A_226, %scan3A_260 : i32
          %broadcast_in_dim3A_262 = vector.broadcast %scan3A_261 : i32 to vector<16xi32>
          %gather3A_263 = tpu.vector_load_idx %arg17[%scan3A_76#1, %broadcast_in_dim3A_262] : memref<64x512xf32, #tpu.memory_space<vmem>>[vector<16xi32>, vector<16xi32>], vector<16xf32>,
          %gather3A_264 = tpu.vector_load_idx %arg17[%scan3A_76#3, %broadcast_in_dim3A_262] : memref<64x512xf32, #tpu.memory_space<vmem>>[vector<16xi32>, vector<16xi32>], vector<16xf32>,
          %sub3A_265 = arith.subf %gather3A_263, %gather3A : vector<16xf32>
          %sub3A_266 = arith.subf %gather3A_264, %gather3A_173 : vector<16xf32>
          %mul3A_267 = arith.mulf %sub3A_265, %sub3A_265 : vector<16xf32>
          %add3A_268 = arith.addf %add3A_257, %mul3A_267 : vector<16xf32>
          %mul3A_269 = arith.mulf %sub3A_266, %sub3A_266 : vector<16xf32>
          %add3A_270 = arith.addf %add3A_259, %mul3A_269 : vector<16xf32>
          scf.yield %add3A_268, %add3A_270 : vector<16xf32>, vector<16xf32>
        }
        %scan3A_179 = arith.constant 256 : i32
        %scan3A_180 = arith.constant 256 : i32
        %scan3A_181 = arith.constant 256 : i32
        %scan3A_182 = arith.addi %scan3A_180, %scan3A_181 : i32
        %scan3A_183 = arith.constant 4 : i32
        %scan3A_184:2 = scf.for %scan3A_226 = %scan3A_180 to %scan3A_182 step %scan3A_183 iter_args(%scan3A_227 = %broadcast_in_dim3A_2, %scan3A_228 = %broadcast_in_dim3A_2) -> (vector<16xf32>, vector<16xf32>)  : i32 {
          %broadcast_in_dim3A_229 = vector.broadcast %scan3A_226 : i32 to vector<16xi32>
          %gather3A_230 = tpu.vector_load_idx %arg17[%scan3A_76#1, %broadcast_in_dim3A_229] : memref<64x512xf32, #tpu.memory_space<vmem>>[vector<16xi32>, vector<16xi32>], vector<16xf32>,
          %gather3A_231 = tpu.vector_load_idx %arg17[%scan3A_76#3, %broadcast_in_dim3A_229] : memref<64x512xf32, #tpu.memory_space<vmem>>[vector<16xi32>, vector<16xi32>], vector<16xf32>,
          %sub3A_232 = arith.subf %gather3A_230, %gather3A : vector<16xf32>
          %sub3A_233 = arith.subf %gather3A_231, %gather3A_173 : vector<16xf32>
          %mul3A_234 = arith.mulf %sub3A_232, %sub3A_232 : vector<16xf32>
          %add3A_235 = arith.addf %scan3A_227, %mul3A_234 : vector<16xf32>
          %mul3A_236 = arith.mulf %sub3A_233, %sub3A_233 : vector<16xf32>
          %add3A_237 = arith.addf %scan3A_228, %mul3A_236 : vector<16xf32>
          %scan3A_238 = arith.constant 1 : i32
          %scan3A_239 = arith.addi %scan3A_226, %scan3A_238 : i32
          %broadcast_in_dim3A_240 = vector.broadcast %scan3A_239 : i32 to vector<16xi32>
          %gather3A_241 = tpu.vector_load_idx %arg17[%scan3A_76#1, %broadcast_in_dim3A_240] : memref<64x512xf32, #tpu.memory_space<vmem>>[vector<16xi32>, vector<16xi32>], vector<16xf32>,
          %gather3A_242 = tpu.vector_load_idx %arg17[%scan3A_76#3, %broadcast_in_dim3A_240] : memref<64x512xf32, #tpu.memory_space<vmem>>[vector<16xi32>, vector<16xi32>], vector<16xf32>,
          %sub3A_243 = arith.subf %gather3A_241, %gather3A : vector<16xf32>
          %sub3A_244 = arith.subf %gather3A_242, %gather3A_173 : vector<16xf32>
          %mul3A_245 = arith.mulf %sub3A_243, %sub3A_243 : vector<16xf32>
          %add3A_246 = arith.addf %add3A_235, %mul3A_245 : vector<16xf32>
          %mul3A_247 = arith.mulf %sub3A_244, %sub3A_244 : vector<16xf32>
          %add3A_248 = arith.addf %add3A_237, %mul3A_247 : vector<16xf32>
          %scan3A_249 = arith.constant 2 : i32
          %scan3A_250 = arith.addi %scan3A_226, %scan3A_249 : i32
          %broadcast_in_dim3A_251 = vector.broadcast %scan3A_250 : i32 to vector<16xi32>
          %gather3A_252 = tpu.vector_load_idx %arg17[%scan3A_76#1, %broadcast_in_dim3A_251] : memref<64x512xf32, #tpu.memory_space<vmem>>[vector<16xi32>, vector<16xi32>], vector<16xf32>,
          %gather3A_253 = tpu.vector_load_idx %arg17[%scan3A_76#3, %broadcast_in_dim3A_251] : memref<64x512xf32, #tpu.memory_space<vmem>>[vector<16xi32>, vector<16xi32>], vector<16xf32>,
          %sub3A_254 = arith.subf %gather3A_252, %gather3A : vector<16xf32>
          %sub3A_255 = arith.subf %gather3A_253, %gather3A_173 : vector<16xf32>
          %mul3A_256 = arith.mulf %sub3A_254, %sub3A_254 : vector<16xf32>
          %add3A_257 = arith.addf %add3A_246, %mul3A_256 : vector<16xf32>
          %mul3A_258 = arith.mulf %sub3A_255, %sub3A_255 : vector<16xf32>
          %add3A_259 = arith.addf %add3A_248, %mul3A_258 : vector<16xf32>
          %scan3A_260 = arith.constant 3 : i32
          %scan3A_261 = arith.addi %scan3A_226, %scan3A_260 : i32
          %broadcast_in_dim3A_262 = vector.broadcast %scan3A_261 : i32 to vector<16xi32>
          %gather3A_263 = tpu.vector_load_idx %arg17[%scan3A_76#1, %broadcast_in_dim3A_262] : memref<64x512xf32, #tpu.memory_space<vmem>>[vector<16xi32>, vector<16xi32>], vector<16xf32>,
          %gather3A_264 = tpu.vector_load_idx %arg17[%scan3A_76#3, %broadcast_in_dim3A_262] : memref<64x512xf32, #tpu.memory_space<vmem>>[vector<16xi32>, vector<16xi32>], vector<16xf32>,
          %sub3A_265 = arith.subf %gather3A_263, %gather3A : vector<16xf32>
          %sub3A_266 = arith.subf %gather3A_264, %gather3A_173 : vector<16xf32>
          %mul3A_267 = arith.mulf %sub3A_265, %sub3A_265 : vector<16xf32>
          %add3A_268 = arith.addf %add3A_257, %mul3A_267 : vector<16xf32>
          %mul3A_269 = arith.mulf %sub3A_266, %sub3A_266 : vector<16xf32>
          %add3A_270 = arith.addf %add3A_259, %mul3A_269 : vector<16xf32>
          scf.yield %add3A_268, %add3A_270 : vector<16xf32>, vector<16xf32>
        }
        %scan3A_185 = arith.constant 256 : i32
        %add3A_186 = arith.addf %scan3A_178#0, %scan3A_184#0 : vector<16xf32>
        %add3A_187 = arith.addf %scan3A_178#1, %scan3A_184#1 : vector<16xf32>
        %lt3A_188 = arith.cmpf olt, %add3A_187, %add3A_186 : vector<16xf32>
        %eq3A_189 = arith.cmpf oeq, %add3A_187, %add3A_186 : vector<16xf32>
        %lt3A_190 = arith.cmpi slt, %scan3A_76#3, %scan3A_76#1 : vector<16xi32>
        %and3A = arith.andi %eq3A_189, %lt3A_190 : vector<16xi1>
        %or3A_191 = arith.ori %lt3A_188, %and3A : vector<16xi1>
        %select_n3A = arith.select %or3A_191, %scan3A_76#3, %scan3A_76#1 : vector<16xi1>, vector<16xi32>
        %select_n3A_192 = arith.select %lt3A_83, %select_n3A, %scan3A_76#1 : vector<16xi1>, vector<16xi32>
        %swap3A_193 = arith.constant 0 : index
        %swap3A_194 = tpu.vector_load %arg16[%swap3A_193] {strides = array<i32>} : memref<32xi32, #tpu.memory_space<vmem>>, vector<16xi32>,
        tpu.vector_store %arg16[%swap3A_193], %select_n3A_192 {strides = array<i32>} : memref<32xi32, #tpu.memory_space<vmem>>, vector<16xi32>,
        %add3A_195 = arith.constant 16 : i32
        %add3A_196 = vector.broadcast %add3A_195 : i32 to vector<16xi32>
        %add3A_197 = arith.addi %iota3A, %add3A_196 : vector<16xi32>
        %gather3A_198 = tpu.vector_load_idx %arg7[%scan3A_76#5, %add3A_197] : memref<64x32xf32, #tpu.memory_space<vmem>>[vector<16xi32>, vector<16xi32>], vector<16xf32>,
        %add3A_199 = arith.constant 16 : i32
        %add3A_200 = vector.broadcast %add3A_199 : i32 to vector<16xi32>
        %add3A_201 = arith.addi %iota3A, %add3A_200 : vector<16xi32>
        %gather3A_202 = tpu.vector_load_idx %arg7[%scan3A_76#7, %add3A_201] : memref<64x32xf32, #tpu.memory_space<vmem>>[vector<16xi32>, vector<16xi32>], vector<16xf32>,
        %scan3A_203 = arith.constant 0 : i32
        %scan3A_204 = arith.constant 256 : i32
        %scan3A_205 = arith.addi %scan3A_203, %scan3A_204 : i32
        %scan3A_206 = arith.constant 4 : i32
        %scan3A_207:2 = scf.for %scan3A_226 = %scan3A_203 to %scan3A_205 step %scan3A_206 iter_args(%scan3A_227 = %broadcast_in_dim3A_2, %scan3A_228 = %broadcast_in_dim3A_2) -> (vector<16xf32>, vector<16xf32>)  : i32 {
          %broadcast_in_dim3A_229 = vector.broadcast %scan3A_226 : i32 to vector<16xi32>
          %gather3A_230 = tpu.vector_load_idx %arg17[%scan3A_76#5, %broadcast_in_dim3A_229] : memref<64x512xf32, #tpu.memory_space<vmem>>[vector<16xi32>, vector<16xi32>], vector<16xf32>,
          %gather3A_231 = tpu.vector_load_idx %arg17[%scan3A_76#7, %broadcast_in_dim3A_229] : memref<64x512xf32, #tpu.memory_space<vmem>>[vector<16xi32>, vector<16xi32>], vector<16xf32>,
          %sub3A_232 = arith.subf %gather3A_230, %gather3A_198 : vector<16xf32>
          %sub3A_233 = arith.subf %gather3A_231, %gather3A_202 : vector<16xf32>
          %mul3A_234 = arith.mulf %sub3A_232, %sub3A_232 : vector<16xf32>
          %add3A_235 = arith.addf %scan3A_227, %mul3A_234 : vector<16xf32>
          %mul3A_236 = arith.mulf %sub3A_233, %sub3A_233 : vector<16xf32>
          %add3A_237 = arith.addf %scan3A_228, %mul3A_236 : vector<16xf32>
          %scan3A_238 = arith.constant 1 : i32
          %scan3A_239 = arith.addi %scan3A_226, %scan3A_238 : i32
          %broadcast_in_dim3A_240 = vector.broadcast %scan3A_239 : i32 to vector<16xi32>
          %gather3A_241 = tpu.vector_load_idx %arg17[%scan3A_76#5, %broadcast_in_dim3A_240] : memref<64x512xf32, #tpu.memory_space<vmem>>[vector<16xi32>, vector<16xi32>], vector<16xf32>,
          %gather3A_242 = tpu.vector_load_idx %arg17[%scan3A_76#7, %broadcast_in_dim3A_240] : memref<64x512xf32, #tpu.memory_space<vmem>>[vector<16xi32>, vector<16xi32>], vector<16xf32>,
          %sub3A_243 = arith.subf %gather3A_241, %gather3A_198 : vector<16xf32>
          %sub3A_244 = arith.subf %gather3A_242, %gather3A_202 : vector<16xf32>
          %mul3A_245 = arith.mulf %sub3A_243, %sub3A_243 : vector<16xf32>
          %add3A_246 = arith.addf %add3A_235, %mul3A_245 : vector<16xf32>
          %mul3A_247 = arith.mulf %sub3A_244, %sub3A_244 : vector<16xf32>
          %add3A_248 = arith.addf %add3A_237, %mul3A_247 : vector<16xf32>
          %scan3A_249 = arith.constant 2 : i32
          %scan3A_250 = arith.addi %scan3A_226, %scan3A_249 : i32
          %broadcast_in_dim3A_251 = vector.broadcast %scan3A_250 : i32 to vector<16xi32>
          %gather3A_252 = tpu.vector_load_idx %arg17[%scan3A_76#5, %broadcast_in_dim3A_251] : memref<64x512xf32, #tpu.memory_space<vmem>>[vector<16xi32>, vector<16xi32>], vector<16xf32>,
          %gather3A_253 = tpu.vector_load_idx %arg17[%scan3A_76#7, %broadcast_in_dim3A_251] : memref<64x512xf32, #tpu.memory_space<vmem>>[vector<16xi32>, vector<16xi32>], vector<16xf32>,
          %sub3A_254 = arith.subf %gather3A_252, %gather3A_198 : vector<16xf32>
          %sub3A_255 = arith.subf %gather3A_253, %gather3A_202 : vector<16xf32>
          %mul3A_256 = arith.mulf %sub3A_254, %sub3A_254 : vector<16xf32>
          %add3A_257 = arith.addf %add3A_246, %mul3A_256 : vector<16xf32>
          %mul3A_258 = arith.mulf %sub3A_255, %sub3A_255 : vector<16xf32>
          %add3A_259 = arith.addf %add3A_248, %mul3A_258 : vector<16xf32>
          %scan3A_260 = arith.constant 3 : i32
          %scan3A_261 = arith.addi %scan3A_226, %scan3A_260 : i32
          %broadcast_in_dim3A_262 = vector.broadcast %scan3A_261 : i32 to vector<16xi32>
          %gather3A_263 = tpu.vector_load_idx %arg17[%scan3A_76#5, %broadcast_in_dim3A_262] : memref<64x512xf32, #tpu.memory_space<vmem>>[vector<16xi32>, vector<16xi32>], vector<16xf32>,
          %gather3A_264 = tpu.vector_load_idx %arg17[%scan3A_76#7, %broadcast_in_dim3A_262] : memref<64x512xf32, #tpu.memory_space<vmem>>[vector<16xi32>, vector<16xi32>], vector<16xf32>,
          %sub3A_265 = arith.subf %gather3A_263, %gather3A_198 : vector<16xf32>
          %sub3A_266 = arith.subf %gather3A_264, %gather3A_202 : vector<16xf32>
          %mul3A_267 = arith.mulf %sub3A_265, %sub3A_265 : vector<16xf32>
          %add3A_268 = arith.addf %add3A_257, %mul3A_267 : vector<16xf32>
          %mul3A_269 = arith.mulf %sub3A_266, %sub3A_266 : vector<16xf32>
          %add3A_270 = arith.addf %add3A_259, %mul3A_269 : vector<16xf32>
          scf.yield %add3A_268, %add3A_270 : vector<16xf32>, vector<16xf32>
        }
        %scan3A_208 = arith.constant 256 : i32
        %scan3A_209 = arith.constant 256 : i32
        %scan3A_210 = arith.constant 256 : i32
        %scan3A_211 = arith.addi %scan3A_209, %scan3A_210 : i32
        %scan3A_212 = arith.constant 4 : i32
        %scan3A_213:2 = scf.for %scan3A_226 = %scan3A_209 to %scan3A_211 step %scan3A_212 iter_args(%scan3A_227 = %broadcast_in_dim3A_2, %scan3A_228 = %broadcast_in_dim3A_2) -> (vector<16xf32>, vector<16xf32>)  : i32 {
          %broadcast_in_dim3A_229 = vector.broadcast %scan3A_226 : i32 to vector<16xi32>
          %gather3A_230 = tpu.vector_load_idx %arg17[%scan3A_76#5, %broadcast_in_dim3A_229] : memref<64x512xf32, #tpu.memory_space<vmem>>[vector<16xi32>, vector<16xi32>], vector<16xf32>,
          %gather3A_231 = tpu.vector_load_idx %arg17[%scan3A_76#7, %broadcast_in_dim3A_229] : memref<64x512xf32, #tpu.memory_space<vmem>>[vector<16xi32>, vector<16xi32>], vector<16xf32>,
          %sub3A_232 = arith.subf %gather3A_230, %gather3A_198 : vector<16xf32>
          %sub3A_233 = arith.subf %gather3A_231, %gather3A_202 : vector<16xf32>
          %mul3A_234 = arith.mulf %sub3A_232, %sub3A_232 : vector<16xf32>
          %add3A_235 = arith.addf %scan3A_227, %mul3A_234 : vector<16xf32>
          %mul3A_236 = arith.mulf %sub3A_233, %sub3A_233 : vector<16xf32>
          %add3A_237 = arith.addf %scan3A_228, %mul3A_236 : vector<16xf32>
          %scan3A_238 = arith.constant 1 : i32
          %scan3A_239 = arith.addi %scan3A_226, %scan3A_238 : i32
          %broadcast_in_dim3A_240 = vector.broadcast %scan3A_239 : i32 to vector<16xi32>
          %gather3A_241 = tpu.vector_load_idx %arg17[%scan3A_76#5, %broadcast_in_dim3A_240] : memref<64x512xf32, #tpu.memory_space<vmem>>[vector<16xi32>, vector<16xi32>], vector<16xf32>,
          %gather3A_242 = tpu.vector_load_idx %arg17[%scan3A_76#7, %broadcast_in_dim3A_240] : memref<64x512xf32, #tpu.memory_space<vmem>>[vector<16xi32>, vector<16xi32>], vector<16xf32>,
          %sub3A_243 = arith.subf %gather3A_241, %gather3A_198 : vector<16xf32>
          %sub3A_244 = arith.subf %gather3A_242, %gather3A_202 : vector<16xf32>
          %mul3A_245 = arith.mulf %sub3A_243, %sub3A_243 : vector<16xf32>
          %add3A_246 = arith.addf %add3A_235, %mul3A_245 : vector<16xf32>
          %mul3A_247 = arith.mulf %sub3A_244, %sub3A_244 : vector<16xf32>
          %add3A_248 = arith.addf %add3A_237, %mul3A_247 : vector<16xf32>
          %scan3A_249 = arith.constant 2 : i32
          %scan3A_250 = arith.addi %scan3A_226, %scan3A_249 : i32
          %broadcast_in_dim3A_251 = vector.broadcast %scan3A_250 : i32 to vector<16xi32>
          %gather3A_252 = tpu.vector_load_idx %arg17[%scan3A_76#5, %broadcast_in_dim3A_251] : memref<64x512xf32, #tpu.memory_space<vmem>>[vector<16xi32>, vector<16xi32>], vector<16xf32>,
          %gather3A_253 = tpu.vector_load_idx %arg17[%scan3A_76#7, %broadcast_in_dim3A_251] : memref<64x512xf32, #tpu.memory_space<vmem>>[vector<16xi32>, vector<16xi32>], vector<16xf32>,
          %sub3A_254 = arith.subf %gather3A_252, %gather3A_198 : vector<16xf32>
          %sub3A_255 = arith.subf %gather3A_253, %gather3A_202 : vector<16xf32>
          %mul3A_256 = arith.mulf %sub3A_254, %sub3A_254 : vector<16xf32>
          %add3A_257 = arith.addf %add3A_246, %mul3A_256 : vector<16xf32>
          %mul3A_258 = arith.mulf %sub3A_255, %sub3A_255 : vector<16xf32>
          %add3A_259 = arith.addf %add3A_248, %mul3A_258 : vector<16xf32>
          %scan3A_260 = arith.constant 3 : i32
          %scan3A_261 = arith.addi %scan3A_226, %scan3A_260 : i32
          %broadcast_in_dim3A_262 = vector.broadcast %scan3A_261 : i32 to vector<16xi32>
          %gather3A_263 = tpu.vector_load_idx %arg17[%scan3A_76#5, %broadcast_in_dim3A_262] : memref<64x512xf32, #tpu.memory_space<vmem>>[vector<16xi32>, vector<16xi32>], vector<16xf32>,
          %gather3A_264 = tpu.vector_load_idx %arg17[%scan3A_76#7, %broadcast_in_dim3A_262] : memref<64x512xf32, #tpu.memory_space<vmem>>[vector<16xi32>, vector<16xi32>], vector<16xf32>,
          %sub3A_265 = arith.subf %gather3A_263, %gather3A_198 : vector<16xf32>
          %sub3A_266 = arith.subf %gather3A_264, %gather3A_202 : vector<16xf32>
          %mul3A_267 = arith.mulf %sub3A_265, %sub3A_265 : vector<16xf32>
          %add3A_268 = arith.addf %add3A_257, %mul3A_267 : vector<16xf32>
          %mul3A_269 = arith.mulf %sub3A_266, %sub3A_266 : vector<16xf32>
          %add3A_270 = arith.addf %add3A_259, %mul3A_269 : vector<16xf32>
          scf.yield %add3A_268, %add3A_270 : vector<16xf32>, vector<16xf32>
        }
        %scan3A_214 = arith.constant 256 : i32
        %add3A_215 = arith.addf %scan3A_207#0, %scan3A_213#0 : vector<16xf32>
        %add3A_216 = arith.addf %scan3A_207#1, %scan3A_213#1 : vector<16xf32>
        %lt3A_217 = arith.cmpf olt, %add3A_216, %add3A_215 : vector<16xf32>
        %eq3A_218 = arith.cmpf oeq, %add3A_216, %add3A_215 : vector<16xf32>
        %lt3A_219 = arith.cmpi slt, %scan3A_76#7, %scan3A_76#5 : vector<16xi32>
        %and3A_220 = arith.andi %eq3A_218, %lt3A_219 : vector<16xi1>
        %or3A_221 = arith.ori %lt3A_217, %and3A_220 : vector<16xi1>
        %select_n3A_222 = arith.select %or3A_221, %scan3A_76#7, %scan3A_76#5 : vector<16xi1>, vector<16xi32>
        %select_n3A_223 = arith.select %lt3A_87, %select_n3A_222, %scan3A_76#5 : vector<16xi1>, vector<16xi32>
        %swap3A_224 = arith.constant 16 : index
        %swap3A_225 = tpu.vector_load %arg16[%swap3A_224] {strides = array<i32>} : memref<32xi32, #tpu.memory_space<vmem>>, vector<16xi32>,
        tpu.vector_store %arg16[%swap3A_224], %select_n3A_223 {strides = array<i32>} : memref<32xi32, #tpu.memory_space<vmem>>, vector<16xi32>,
      } else {
      }
      %get3A = arith.constant 0 : index
      %get3A_101 = tpu.vector_load %arg16[%get3A] {strides = array<i32>} : memref<32xi32, #tpu.memory_space<vmem>>, vector<16xi32>,
      %get3A_102 = arith.constant 16 : index
      %get3A_103 = tpu.vector_load %arg16[%get3A_102] {strides = array<i32>} : memref<32xi32, #tpu.memory_space<vmem>>, vector<16xi32>,
      %dma_wait3A_104 = arith.constant 0 : i32
      %dma_wait3A_105 = arith.constant 0 : i32
      %dma_wait3A_106 = tpu.memref_slice %arg3[%dma_wait3A_104, %dma_wait3A_105] : memref<64x512xf32, #tpu.memory_space<hbm>> -> memref<64x64xf32, #tpu.memory_space<hbm>>
      %dma_wait3A_107 = arith.constant 0 : i32
      %dma_wait3A_108 = arith.constant 0 : i32
      %dma_wait3A_109 = tpu.memref_slice %arg3[%dma_wait3A_107, %dma_wait3A_108] : memref<64x512xf32, #tpu.memory_space<hbm>> -> memref<64x64xf32, #tpu.memory_space<hbm>>
      tpu.wait_dma2 semaphore(%arg20 : memref<!tpu.dma_semaphore, #tpu.memory_space<semaphore_mem>>) src(%dma_wait3A_109 : memref<64x64xf32, #tpu.memory_space<hbm>>) dst(%arg8 : memref<64x64xf32, #tpu.memory_space<vmem>>)
      %scan3A_110 = arith.constant 0 : i32
      %scan3A_111 = arith.constant 64 : i32
      %scan3A_112 = arith.addi %scan3A_110, %scan3A_111 : i32
      %scan3A_113 = arith.constant 2 : i32
      %scan3A_114:8 = scf.for %scan3A_167 = %scan3A_110 to %scan3A_112 step %scan3A_113 iter_args(%scan3A_168 = %broadcast_in_dim3A_2, %scan3A_169 = %broadcast_in_dim3A_2, %scan3A_170 = %broadcast_in_dim3A_2, %scan3A_171 = %broadcast_in_dim3A_2, %scan3A_172 = %broadcast_in_dim3A_2, %scan3A_173 = %broadcast_in_dim3A_2, %scan3A_174 = %broadcast_in_dim3A_2, %scan3A_175 = %broadcast_in_dim3A_2) -> (vector<16xf32>, vector<16xf32>, vector<16xf32>, vector<16xf32>, vector<16xf32>, vector<16xf32>, vector<16xf32>, vector<16xf32>)  : i32 {
        %broadcast_in_dim3A_176 = vector.broadcast %scan3A_167 : i32 to vector<16xi32>
        %gather3A = tpu.vector_load_idx %arg8[%broadcast_in_dim3A_176, %get3A_101] : memref<64x64xf32, #tpu.memory_space<vmem>>[vector<16xi32>, vector<16xi32>], vector<16xf32>,
        %add3A_177 = arith.constant 0 : i32
        %add3A_178 = vector.broadcast %add3A_177 : i32 to vector<16xi32>
        %add3A_179 = arith.addi %iota3A, %add3A_178 : vector<16xi32>
        tpu.vector_store_idx %arg9[%broadcast_in_dim3A_176, %add3A_179], %gather3A : memref<64x32xf32, #tpu.memory_space<vmem>>[vector<16xi32>, vector<16xi32>], vector<16xf32>,
        %add3A_180 = arith.constant 0 : i32
        %add3A_181 = vector.broadcast %add3A_180 : i32 to vector<16xi32>
        %add3A_182 = arith.addi %iota3A, %add3A_181 : vector<16xi32>
        %gather3A_183 = tpu.vector_load_idx %arg6[%broadcast_in_dim3A_176, %add3A_182] : memref<64x32xf32, #tpu.memory_space<vmem>>[vector<16xi32>, vector<16xi32>], vector<16xf32>,
        %add3A_184 = arith.addf %scan3A_168, %gather3A : vector<16xf32>
        %mul3A_185 = arith.mulf %gather3A, %gather3A : vector<16xf32>
        %add3A_186 = arith.addf %scan3A_169, %mul3A_185 : vector<16xf32>
        %add3A_187 = arith.addf %scan3A_170, %gather3A_183 : vector<16xf32>
        %mul3A_188 = arith.mulf %gather3A_183, %gather3A_183 : vector<16xf32>
        %add3A_189 = arith.addf %scan3A_171, %mul3A_188 : vector<16xf32>
        %gather3A_190 = tpu.vector_load_idx %arg8[%broadcast_in_dim3A_176, %get3A_103] : memref<64x64xf32, #tpu.memory_space<vmem>>[vector<16xi32>, vector<16xi32>], vector<16xf32>,
        %add3A_191 = arith.constant 16 : i32
        %add3A_192 = vector.broadcast %add3A_191 : i32 to vector<16xi32>
        %add3A_193 = arith.addi %iota3A, %add3A_192 : vector<16xi32>
        tpu.vector_store_idx %arg9[%broadcast_in_dim3A_176, %add3A_193], %gather3A_190 : memref<64x32xf32, #tpu.memory_space<vmem>>[vector<16xi32>, vector<16xi32>], vector<16xf32>,
        %add3A_194 = arith.constant 16 : i32
        %add3A_195 = vector.broadcast %add3A_194 : i32 to vector<16xi32>
        %add3A_196 = arith.addi %iota3A, %add3A_195 : vector<16xi32>
        %gather3A_197 = tpu.vector_load_idx %arg6[%broadcast_in_dim3A_176, %add3A_196] : memref<64x32xf32, #tpu.memory_space<vmem>>[vector<16xi32>, vector<16xi32>], vector<16xf32>,
        %add3A_198 = arith.addf %scan3A_172, %gather3A_190 : vector<16xf32>
        %mul3A_199 = arith.mulf %gather3A_190, %gather3A_190 : vector<16xf32>
        %add3A_200 = arith.addf %scan3A_173, %mul3A_199 : vector<16xf32>
        %add3A_201 = arith.addf %scan3A_174, %gather3A_197 : vector<16xf32>
        %mul3A_202 = arith.mulf %gather3A_197, %gather3A_197 : vector<16xf32>
        %add3A_203 = arith.addf %scan3A_175, %mul3A_202 : vector<16xf32>
        %scan3A_204 = arith.constant 1 : i32
        %scan3A_205 = arith.addi %scan3A_167, %scan3A_204 : i32
        %broadcast_in_dim3A_206 = vector.broadcast %scan3A_205 : i32 to vector<16xi32>
        %gather3A_207 = tpu.vector_load_idx %arg8[%broadcast_in_dim3A_206, %get3A_101] : memref<64x64xf32, #tpu.memory_space<vmem>>[vector<16xi32>, vector<16xi32>], vector<16xf32>,
        %add3A_208 = arith.constant 0 : i32
        %add3A_209 = vector.broadcast %add3A_208 : i32 to vector<16xi32>
        %add3A_210 = arith.addi %iota3A, %add3A_209 : vector<16xi32>
        tpu.vector_store_idx %arg9[%broadcast_in_dim3A_206, %add3A_210], %gather3A_207 : memref<64x32xf32, #tpu.memory_space<vmem>>[vector<16xi32>, vector<16xi32>], vector<16xf32>,
        %add3A_211 = arith.constant 0 : i32
        %add3A_212 = vector.broadcast %add3A_211 : i32 to vector<16xi32>
        %add3A_213 = arith.addi %iota3A, %add3A_212 : vector<16xi32>
        %gather3A_214 = tpu.vector_load_idx %arg6[%broadcast_in_dim3A_206, %add3A_213] : memref<64x32xf32, #tpu.memory_space<vmem>>[vector<16xi32>, vector<16xi32>], vector<16xf32>,
        %add3A_215 = arith.addf %add3A_184, %gather3A_207 : vector<16xf32>
        %mul3A_216 = arith.mulf %gather3A_207, %gather3A_207 : vector<16xf32>
        %add3A_217 = arith.addf %add3A_186, %mul3A_216 : vector<16xf32>
        %add3A_218 = arith.addf %add3A_187, %gather3A_214 : vector<16xf32>
        %mul3A_219 = arith.mulf %gather3A_214, %gather3A_214 : vector<16xf32>
        %add3A_220 = arith.addf %add3A_189, %mul3A_219 : vector<16xf32>
        %gather3A_221 = tpu.vector_load_idx %arg8[%broadcast_in_dim3A_206, %get3A_103] : memref<64x64xf32, #tpu.memory_space<vmem>>[vector<16xi32>, vector<16xi32>], vector<16xf32>,
        %add3A_222 = arith.constant 16 : i32
        %add3A_223 = vector.broadcast %add3A_222 : i32 to vector<16xi32>
        %add3A_224 = arith.addi %iota3A, %add3A_223 : vector<16xi32>
        tpu.vector_store_idx %arg9[%broadcast_in_dim3A_206, %add3A_224], %gather3A_221 : memref<64x32xf32, #tpu.memory_space<vmem>>[vector<16xi32>, vector<16xi32>], vector<16xf32>,
        %add3A_225 = arith.constant 16 : i32
        %add3A_226 = vector.broadcast %add3A_225 : i32 to vector<16xi32>
        %add3A_227 = arith.addi %iota3A, %add3A_226 : vector<16xi32>
        %gather3A_228 = tpu.vector_load_idx %arg6[%broadcast_in_dim3A_206, %add3A_227] : memref<64x32xf32, #tpu.memory_space<vmem>>[vector<16xi32>, vector<16xi32>], vector<16xf32>,
        %add3A_229 = arith.addf %add3A_198, %gather3A_221 : vector<16xf32>
        %mul3A_230 = arith.mulf %gather3A_221, %gather3A_221 : vector<16xf32>
        %add3A_231 = arith.addf %add3A_200, %mul3A_230 : vector<16xf32>
        %add3A_232 = arith.addf %add3A_201, %gather3A_228 : vector<16xf32>
        %mul3A_233 = arith.mulf %gather3A_228, %gather3A_228 : vector<16xf32>
        %add3A_234 = arith.addf %add3A_203, %mul3A_233 : vector<16xf32>
        scf.yield %add3A_215, %add3A_217, %add3A_218, %add3A_220, %add3A_229, %add3A_231, %add3A_232, %add3A_234 : vector<16xf32>, vector<16xf32>, vector<16xf32>, vector<16xf32>, vector<16xf32>, vector<16xf32>, vector<16xf32>, vector<16xf32>
      }
      %scan3A_115 = arith.constant 64 : i32
      %mul3A_116 = arith.constant 6.400000e+01 : f32
      %mul3A_117 = vector.broadcast %mul3A_116 : f32 to vector<16xf32>
      %mul3A_118 = arith.mulf %mul3A_117, %scan3A_114#1 : vector<16xf32>
      %mul3A_119 = arith.constant 2.000000e+00 : f32
      %mul3A_120 = vector.broadcast %mul3A_119 : f32 to vector<16xf32>
      %mul3A_121 = arith.mulf %mul3A_120, %scan3A_114#0 : vector<16xf32>
      %mul3A_122 = arith.mulf %mul3A_121, %scan3A_114#2 : vector<16xf32>
      %sub3A_123 = arith.subf %mul3A_118, %mul3A_122 : vector<16xf32>
      %mul3A_124 = arith.constant 6.400000e+01 : f32
      %mul3A_125 = vector.broadcast %mul3A_124 : f32 to vector<16xf32>
      %mul3A_126 = arith.mulf %mul3A_125, %scan3A_114#3 : vector<16xf32>
      %add3A = arith.addf %sub3A_123, %mul3A_126 : vector<16xf32>
      %add3A_127 = arith.addf %broadcast_in_dim3A_2, %add3A : vector<16xf32>
      %mul3A_128 = arith.constant 6.400000e+01 : f32
      %mul3A_129 = vector.broadcast %mul3A_128 : f32 to vector<16xf32>
      %mul3A_130 = arith.mulf %mul3A_129, %scan3A_114#5 : vector<16xf32>
      %mul3A_131 = arith.constant 2.000000e+00 : f32
      %mul3A_132 = vector.broadcast %mul3A_131 : f32 to vector<16xf32>
      %mul3A_133 = arith.mulf %mul3A_132, %scan3A_114#4 : vector<16xf32>
      %mul3A_134 = arith.mulf %mul3A_133, %scan3A_114#6 : vector<16xf32>
      %sub3A_135 = arith.subf %mul3A_130, %mul3A_134 : vector<16xf32>
      %mul3A_136 = arith.constant 6.400000e+01 : f32
      %mul3A_137 = vector.broadcast %mul3A_136 : f32 to vector<16xf32>
      %mul3A_138 = arith.mulf %mul3A_137, %scan3A_114#7 : vector<16xf32>
      %add3A_139 = arith.addf %sub3A_135, %mul3A_138 : vector<16xf32>
      %add3A_140 = arith.addf %add3A_127, %add3A_139 : vector<16xf32>
      %mul3A_141 = arith.constant 32 : i32
      %mul3A_142 = arith.muli %arg1, %mul3A_141 : i32
      "tpu.region"() ({
        %run_scoped3A = tpu.sem_alloc : memref<!tpu.dma_semaphore, #tpu.memory_space<semaphore_mem>>
        %dma_start3A_167 = arith.constant 0 : i32
        %dma_start3A_168 = tpu.memref_slice %arg4[%dma_start3A_167, %mul3A_142] : memref<64x512xf32, #tpu.memory_space<hbm>> -> memref<64x32xf32, #tpu.memory_space<hbm>>
        %dma_start3A_169 = arith.constant 0 : i32
        %dma_start3A_170 = tpu.memref_slice %arg4[%dma_start3A_169, %mul3A_142] : memref<64x512xf32, #tpu.memory_space<hbm>> -> memref<64x32xf32, #tpu.memory_space<hbm>>
        tpu.enqueue_dma source(%arg9 : memref<64x32xf32, #tpu.memory_space<vmem>>) target(%dma_start3A_170 : memref<64x32xf32, #tpu.memory_space<hbm>>) target_semaphore(%run_scoped3A : memref<!tpu.dma_semaphore, #tpu.memory_space<semaphore_mem>>)
        %dma_wait3A_171 = arith.constant 0 : i32
        %dma_wait3A_172 = tpu.memref_slice %arg4[%dma_wait3A_171, %mul3A_142] : memref<64x512xf32, #tpu.memory_space<hbm>> -> memref<64x32xf32, #tpu.memory_space<hbm>>
        %dma_wait3A_173 = arith.constant 0 : i32
        %dma_wait3A_174 = tpu.memref_slice %arg4[%dma_wait3A_173, %mul3A_142] : memref<64x512xf32, #tpu.memory_space<hbm>> -> memref<64x32xf32, #tpu.memory_space<hbm>>
        tpu.wait_dma2 semaphore(%run_scoped3A : memref<!tpu.dma_semaphore, #tpu.memory_space<semaphore_mem>>) src(%arg9 : memref<64x32xf32, #tpu.memory_space<vmem>>) dst(%dma_wait3A_174 : memref<64x32xf32, #tpu.memory_space<hbm>>)
        tpu.yield
      }) : () -> ()
      %swap3A_143 = arith.constant 0 : index
      %swap3A_144 = tpu.vector_load %arg13[%swap3A_143] {strides = array<i32>} : memref<128xf32, #tpu.memory_space<vmem>>, vector<16xf32>,
      tpu.vector_store %arg13[%swap3A_143], %broadcast_in_dim3A_2 {strides = array<i32>} : memref<128xf32, #tpu.memory_space<vmem>>, vector<16xf32>,
      %swap3A_145 = arith.constant 16 : index
      %swap3A_146 = tpu.vector_load %arg13[%swap3A_145] {strides = array<i32>} : memref<128xf32, #tpu.memory_space<vmem>>, vector<16xf32>,
      tpu.vector_store %arg13[%swap3A_145], %broadcast_in_dim3A_2 {strides = array<i32>} : memref<128xf32, #tpu.memory_space<vmem>>, vector<16xf32>,
      %swap3A_147 = arith.constant 32 : index
      %swap3A_148 = tpu.vector_load %arg13[%swap3A_147] {strides = array<i32>} : memref<128xf32, #tpu.memory_space<vmem>>, vector<16xf32>,
      tpu.vector_store %arg13[%swap3A_147], %broadcast_in_dim3A_2 {strides = array<i32>} : memref<128xf32, #tpu.memory_space<vmem>>, vector<16xf32>,
      %swap3A_149 = arith.constant 48 : index
      %swap3A_150 = tpu.vector_load %arg13[%swap3A_149] {strides = array<i32>} : memref<128xf32, #tpu.memory_space<vmem>>, vector<16xf32>,
      tpu.vector_store %arg13[%swap3A_149], %broadcast_in_dim3A_2 {strides = array<i32>} : memref<128xf32, #tpu.memory_space<vmem>>, vector<16xf32>,
      %swap3A_151 = arith.constant 64 : index
      %swap3A_152 = tpu.vector_load %arg13[%swap3A_151] {strides = array<i32>} : memref<128xf32, #tpu.memory_space<vmem>>, vector<16xf32>,
      tpu.vector_store %arg13[%swap3A_151], %broadcast_in_dim3A_2 {strides = array<i32>} : memref<128xf32, #tpu.memory_space<vmem>>, vector<16xf32>,
      %swap3A_153 = arith.constant 80 : index
      %swap3A_154 = tpu.vector_load %arg13[%swap3A_153] {strides = array<i32>} : memref<128xf32, #tpu.memory_space<vmem>>, vector<16xf32>,
      tpu.vector_store %arg13[%swap3A_153], %broadcast_in_dim3A_2 {strides = array<i32>} : memref<128xf32, #tpu.memory_space<vmem>>, vector<16xf32>,
      %swap3A_155 = arith.constant 96 : index
      %swap3A_156 = tpu.vector_load %arg13[%swap3A_155] {strides = array<i32>} : memref<128xf32, #tpu.memory_space<vmem>>, vector<16xf32>,
      tpu.vector_store %arg13[%swap3A_155], %broadcast_in_dim3A_2 {strides = array<i32>} : memref<128xf32, #tpu.memory_space<vmem>>, vector<16xf32>,
      %swap3A_157 = arith.constant 112 : index
      %swap3A_158 = tpu.vector_load %arg13[%swap3A_157] {strides = array<i32>} : memref<128xf32, #tpu.memory_space<vmem>>, vector<16xf32>,
      tpu.vector_store %arg13[%swap3A_157], %broadcast_in_dim3A_2 {strides = array<i32>} : memref<128xf32, #tpu.memory_space<vmem>>, vector<16xf32>,
      %swap3A_159 = arith.constant 0 : index
      %swap3A_160 = tpu.vector_load %arg13[%swap3A_159] {strides = array<i32>} : memref<128xf32, #tpu.memory_space<vmem>>, vector<16xf32>,
      tpu.vector_store %arg13[%swap3A_159], %add3A_140 {strides = array<i32>} : memref<128xf32, #tpu.memory_space<vmem>>, vector<16xf32>,
      "tpu.region"() ({
        %run_scoped3A = tpu.sem_alloc : memref<!tpu.dma_semaphore, #tpu.memory_space<semaphore_mem>>
        %dma_start3A_167 = arith.constant 0 : i32
        %dma_start3A_168 = tpu.memref_slice %arg22[%arg1, %dma_start3A_167] : memref<16x128xf32, #tpu.memory_space<vmem_shared>> -> memref<1x128xf32, #tpu.memory_space<vmem_shared>>
        %dma_start3A_169 = tpu.memref_squeeze %dma_start3A_168 : memref<1x128xf32, #tpu.memory_space<vmem_shared>> -> memref<128xf32, #tpu.memory_space<vmem_shared>>
        %dma_start3A_170 = arith.constant 0 : i32
        %dma_start3A_171 = tpu.memref_slice %arg22[%arg1, %dma_start3A_170] : memref<16x128xf32, #tpu.memory_space<vmem_shared>> -> memref<1x128xf32, #tpu.memory_space<vmem_shared>>
        %dma_start3A_172 = tpu.memref_squeeze %dma_start3A_171 : memref<1x128xf32, #tpu.memory_space<vmem_shared>> -> memref<128xf32, #tpu.memory_space<vmem_shared>>
        tpu.enqueue_dma source(%arg13 : memref<128xf32, #tpu.memory_space<vmem>>) target(%dma_start3A_172 : memref<128xf32, #tpu.memory_space<vmem_shared>>) target_semaphore(%run_scoped3A : memref<!tpu.dma_semaphore, #tpu.memory_space<semaphore_mem>>)
        %dma_wait3A_173 = arith.constant 0 : i32
        %dma_wait3A_174 = tpu.memref_slice %arg22[%arg1, %dma_wait3A_173] : memref<16x128xf32, #tpu.memory_space<vmem_shared>> -> memref<1x128xf32, #tpu.memory_space<vmem_shared>>
        %dma_wait3A_175 = tpu.memref_squeeze %dma_wait3A_174 : memref<1x128xf32, #tpu.memory_space<vmem_shared>> -> memref<128xf32, #tpu.memory_space<vmem_shared>>
        %dma_wait3A_176 = arith.constant 0 : i32
        %dma_wait3A_177 = tpu.memref_slice %arg22[%arg1, %dma_wait3A_176] : memref<16x128xf32, #tpu.memory_space<vmem_shared>> -> memref<1x128xf32, #tpu.memory_space<vmem_shared>>
        %dma_wait3A_178 = tpu.memref_squeeze %dma_wait3A_177 : memref<1x128xf32, #tpu.memory_space<vmem_shared>> -> memref<128xf32, #tpu.memory_space<vmem_shared>>
        tpu.wait_dma2 semaphore(%run_scoped3A : memref<!tpu.dma_semaphore, #tpu.memory_space<semaphore_mem>>) src(%arg13 : memref<128xf32, #tpu.memory_space<vmem>>) dst(%dma_wait3A_178 : memref<128xf32, #tpu.memory_space<vmem_shared>>)
        tpu.yield
      }) : () -> ()
      %barrier3A_161 = arith.constant 0 : index
      tpu.barrier barrier_id(%barrier3A_161)
      %eq3A_162 = arith.constant 0 : i32
      %eq3A_163 = arith.cmpi eq, %arg1, %eq3A_162 : i32
      %convert_element_type3A_164 = arith.extui %eq3A_163 : i1 to i32
      %cond3A_165 = arith.constant 0 : i32
      %cond3A_166 = arith.cmpi ne, %convert_element_type3A_164, %cond3A_165 : i32
      scf.if %cond3A_166 {
        "tpu.region"() ({
          %run_scoped3A = tpu.sem_alloc : memref<!tpu.dma_semaphore, #tpu.memory_space<semaphore_mem>>
          tpu.enqueue_dma source(%arg22 : memref<16x128xf32, #tpu.memory_space<vmem_shared>>) target(%arg14 : memref<16x128xf32, #tpu.memory_space<vmem>>) target_semaphore(%run_scoped3A : memref<!tpu.dma_semaphore, #tpu.memory_space<semaphore_mem>>)
          tpu.wait_dma2 semaphore(%run_scoped3A : memref<!tpu.dma_semaphore, #tpu.memory_space<semaphore_mem>>) src(%arg22 : memref<16x128xf32, #tpu.memory_space<vmem_shared>>) dst(%arg14 : memref<16x128xf32, #tpu.memory_space<vmem>>)
          tpu.yield
        }) : () -> ()
        %scan3A_167 = arith.constant 0 : i32
        %scan3A_168 = arith.constant 16 : i32
        %scan3A_169 = arith.addi %scan3A_167, %scan3A_168 : i32
        %scan3A_170 = arith.constant 4 : i32
        %scan3A_171 = scf.for %scan3A_197 = %scan3A_167 to %scan3A_169 step %scan3A_170 iter_args(%scan3A_198 = %broadcast_in_dim3A_2) -> (vector<16xf32>)  : i32 {
          %broadcast_in_dim3A_199 = vector.broadcast %scan3A_197 : i32 to vector<16xi32>
          %gather3A = tpu.vector_load_idx %arg14[%broadcast_in_dim3A_199, %iota3A] : memref<16x128xf32, #tpu.memory_space<vmem>>[vector<16xi32>, vector<16xi32>], vector<16xf32>,
          %add3A_200 = arith.addf %scan3A_198, %gather3A : vector<16xf32>
          %scan3A_201 = arith.constant 1 : i32
          %scan3A_202 = arith.addi %scan3A_197, %scan3A_201 : i32
          %broadcast_in_dim3A_203 = vector.broadcast %scan3A_202 : i32 to vector<16xi32>
          %gather3A_204 = tpu.vector_load_idx %arg14[%broadcast_in_dim3A_203, %iota3A] : memref<16x128xf32, #tpu.memory_space<vmem>>[vector<16xi32>, vector<16xi32>], vector<16xf32>,
          %add3A_205 = arith.addf %add3A_200, %gather3A_204 : vector<16xf32>
          %scan3A_206 = arith.constant 2 : i32
          %scan3A_207 = arith.addi %scan3A_197, %scan3A_206 : i32
          %broadcast_in_dim3A_208 = vector.broadcast %scan3A_207 : i32 to vector<16xi32>
          %gather3A_209 = tpu.vector_load_idx %arg14[%broadcast_in_dim3A_208, %iota3A] : memref<16x128xf32, #tpu.memory_space<vmem>>[vector<16xi32>, vector<16xi32>], vector<16xf32>,
          %add3A_210 = arith.addf %add3A_205, %gather3A_209 : vector<16xf32>
          %scan3A_211 = arith.constant 3 : i32
          %scan3A_212 = arith.addi %scan3A_197, %scan3A_211 : i32
          %broadcast_in_dim3A_213 = vector.broadcast %scan3A_212 : i32 to vector<16xi32>
          %gather3A_214 = tpu.vector_load_idx %arg14[%broadcast_in_dim3A_213, %iota3A] : memref<16x128xf32, #tpu.memory_space<vmem>>[vector<16xi32>, vector<16xi32>], vector<16xf32>,
          %add3A_215 = arith.addf %add3A_210, %gather3A_214 : vector<16xf32>
          scf.yield %add3A_215 : vector<16xf32>
        }
        %scan3A_172 = arith.constant 16 : i32
        %broadcast_in_dim3A_173 = arith.constant true
        %broadcast_in_dim3A_174 = vector.broadcast %broadcast_in_dim3A_173 : i1 to vector<16xi1>
        %masked_cumsum3A = tpu.scan <sum>, %scan3A_171 masked %broadcast_in_dim3A_174 : vector<16xf32>, vector<16xi1> -> vector<16xf32>
        %slice3A = vector.extract_strided_slice %masked_cumsum3A {offsets = [15], sizes = [1], strides = [1]} : vector<16xf32> to vector<1xf32>
        %squeeze3A = vector.extract %slice3A[0] : f32 from vector<1xf32>
        %mul3A_175 = arith.constant 9.53674316E-7 : f32
        %mul3A_176 = arith.mulf %squeeze3A, %mul3A_175 : f32
        %swap3A_177 = arith.constant 0 : index
        %swap3A_178 = tpu.vector_load %arg15[%swap3A_177] {strides = array<i32>} : memref<128xf32, #tpu.memory_space<vmem>>, vector<16xf32>,
        tpu.vector_store %arg15[%swap3A_177], %broadcast_in_dim3A_2 {strides = array<i32>} : memref<128xf32, #tpu.memory_space<vmem>>, vector<16xf32>,
        %swap3A_179 = arith.constant 16 : index
        %swap3A_180 = tpu.vector_load %arg15[%swap3A_179] {strides = array<i32>} : memref<128xf32, #tpu.memory_space<vmem>>, vector<16xf32>,
        tpu.vector_store %arg15[%swap3A_179], %broadcast_in_dim3A_2 {strides = array<i32>} : memref<128xf32, #tpu.memory_space<vmem>>, vector<16xf32>,
        %swap3A_181 = arith.constant 32 : index
        %swap3A_182 = tpu.vector_load %arg15[%swap3A_181] {strides = array<i32>} : memref<128xf32, #tpu.memory_space<vmem>>, vector<16xf32>,
        tpu.vector_store %arg15[%swap3A_181], %broadcast_in_dim3A_2 {strides = array<i32>} : memref<128xf32, #tpu.memory_space<vmem>>, vector<16xf32>,
        %swap3A_183 = arith.constant 48 : index
        %swap3A_184 = tpu.vector_load %arg15[%swap3A_183] {strides = array<i32>} : memref<128xf32, #tpu.memory_space<vmem>>, vector<16xf32>,
        tpu.vector_store %arg15[%swap3A_183], %broadcast_in_dim3A_2 {strides = array<i32>} : memref<128xf32, #tpu.memory_space<vmem>>, vector<16xf32>,
        %swap3A_185 = arith.constant 64 : index
        %swap3A_186 = tpu.vector_load %arg15[%swap3A_185] {strides = array<i32>} : memref<128xf32, #tpu.memory_space<vmem>>, vector<16xf32>,
        tpu.vector_store %arg15[%swap3A_185], %broadcast_in_dim3A_2 {strides = array<i32>} : memref<128xf32, #tpu.memory_space<vmem>>, vector<16xf32>,
        %swap3A_187 = arith.constant 80 : index
        %swap3A_188 = tpu.vector_load %arg15[%swap3A_187] {strides = array<i32>} : memref<128xf32, #tpu.memory_space<vmem>>, vector<16xf32>,
        tpu.vector_store %arg15[%swap3A_187], %broadcast_in_dim3A_2 {strides = array<i32>} : memref<128xf32, #tpu.memory_space<vmem>>, vector<16xf32>,
        %swap3A_189 = arith.constant 96 : index
        %swap3A_190 = tpu.vector_load %arg15[%swap3A_189] {strides = array<i32>} : memref<128xf32, #tpu.memory_space<vmem>>, vector<16xf32>,
        tpu.vector_store %arg15[%swap3A_189], %broadcast_in_dim3A_2 {strides = array<i32>} : memref<128xf32, #tpu.memory_space<vmem>>, vector<16xf32>,
        %swap3A_191 = arith.constant 112 : index
        %swap3A_192 = tpu.vector_load %arg15[%swap3A_191] {strides = array<i32>} : memref<128xf32, #tpu.memory_space<vmem>>, vector<16xf32>,
        tpu.vector_store %arg15[%swap3A_191], %broadcast_in_dim3A_2 {strides = array<i32>} : memref<128xf32, #tpu.memory_space<vmem>>, vector<16xf32>,
        %add3A_193 = vector.broadcast %mul3A_176 : f32 to vector<16xf32>
        %add3A_194 = arith.addf %broadcast_in_dim3A_2, %add3A_193 : vector<16xf32>
        %swap3A_195 = arith.constant 0 : index
        %swap3A_196 = tpu.vector_load %arg15[%swap3A_195] {strides = array<i32>} : memref<128xf32, #tpu.memory_space<vmem>>, vector<16xf32>,
        tpu.vector_store %arg15[%swap3A_195], %add3A_194 {strides = array<i32>} : memref<128xf32, #tpu.memory_space<vmem>>, vector<16xf32>,
        "tpu.region"() ({
          %run_scoped3A = tpu.sem_alloc : memref<!tpu.dma_semaphore, #tpu.memory_space<semaphore_mem>>
          tpu.enqueue_dma source(%arg15 : memref<128xf32, #tpu.memory_space<vmem>>) target(%arg5 : memref<128xf32, #tpu.memory_space<hbm>>) target_semaphore(%run_scoped3A : memref<!tpu.dma_semaphore, #tpu.memory_space<semaphore_mem>>)
          tpu.wait_dma2 semaphore(%run_scoped3A : memref<!tpu.dma_semaphore, #tpu.memory_space<semaphore_mem>>) src(%arg15 : memref<128xf32, #tpu.memory_space<vmem>>) dst(%arg5 : memref<128xf32, #tpu.memory_space<hbm>>)
          tpu.yield
        }) : () -> ()
      } else {
      }
    } else {
    }
    return
  }
}

</mosaic_0001>

<sc_bundles>
// kernel: kernel.3.cloned.1.call-start
scs
__scs_entry_jumppad:
0x0: {  	(pc) =	sbr.rel $0x88, $3  }
0x1: {  	(tag) =	ssettag $0x0;
	lr =	simm.s32 $0x1  }
0x2: {  	[smem:$0x3F9F] =	sst lr;
	_ =	strace $0xD0000000  }
0x3: {  	_ = 	snop  }
0x4: {  	_ = 	snop  }
0x5: {  	_ = 	snop  }
0x6: {  	_ = 	snop  }
0x7: {  	_ = 	snop  }
__scs_overlays_trampoline_lowered:
0x8: {  	[smem:$0x3FAE] =	sst s0  }
0x9: {  	[smem:$0x3FAF] =	sst s1  }
0xa: {  	[smem:$0x3FB0] =	sst s2  }
0xb: {  	[smem:$0x3FB1] =	sst s3  }
0xc: {  	[smem:$0x3FB2] =	sst s4  }
0xd: {  	[smem:$0x3FB3] =	sst s5  }
0xe: {  	[smem:$0x3FB4] =	sst s6  }
0xf: {  	[smem:$0x3FB5] =	sst s7  }
0x10: {  	[smem:$0x3FB6] =	sst s8  }
0x11: {  	[smem:$0x3FB7] =	sst s9;
	s0 =	simm.s32 @!p0 $0x0  }
0x12: {  	s1 =	sld [smem:$0x3F9D];
	s0 =	simm.s32 @p0 $0x1  }
0x13: {  	[smem:$0x3FB8] =	sst s0;
	s0 =	simm.s32 @!p1 $0x0  }
0x14: {  	s2 =	sld [smem:$0x3F9C];
	s0 =	simm.s32 @p1 $0x1  }
0x15: {  	[smem:$0x3FB9] =	sst s0;
	s0 =	simm.s32 @!p2 $0x0  }
0x16: {  	s3 =	sld [smem:$0x3FDB];
	s0 =	simm.s32 @p2 $0x1  }
0x17: {  	s4 =	simm.s32 $0x1BF5;
	[smem:$0x3FBB] =	sst s0  }
0x18: {  	s0 =	sld [smem:$0x3F9E];
	_ =	swait.ge [sflag:s4], $0x0  }
0x19: {  	s7 =	sld [smem:$0x3F9F]  }
0x1a: {  	s8 =	sadd.s32 $0xFFFFE003, lr  }
0x1b: {  	s9 =	sadd.s32 $0xFFFFFEF7, lr;
	s5 =	simm.s32 $0xFFFFFFFF;
	p2 =	slt.u32 s8, $0xFFFFF086  }
0x1c: {  	p1 =	slt.u32 s9, $0xF7A;
	s5 =	simm.s32 @!p2 $0x0  }
0x1d: {  	s5 =	simm.s32 @p1 $0x1;
	p0 =	seq.s32 s7, s2  }
0x1e: {  	s7 =	smul.u32 @!p0 $0xF7A, s2;
	p2 =	seq.s32 @!p0 s5, $0x0  }
0x1f: {  	s9 =	smul.u32 $0xF7A, s1;
	s8 =	simm.s32 @!p0 $0x1BF5;
	p2 =	por !p2, p0  }
0x20: {  	[sflag:s8] =	ssyncset.s32 @!p0 $0xFFFFF086;
	s6 =	sadd.s32 @!p0 s3, s7;
	s7 =	simm.s32 @!p0 $0x108  }
0x21: {  	s3 =	sadd.s32 s3, s9;
	s6 =	sadd.s32 @!p0 $0x88, s6;
	s7 =	simm.s32 @p2 $0x1082  }
0x22: {  	[simem:s7], [sflag:s8] =	dma.local @!p0 [hbm:s6], $0xF7A  }
0x23: {  	s9 =	sor.u32 $0xD0000000, s2;
	s6 =	simm.s32 $0x108;
	_ =	swait.ge @!p0 [sflag:s8], $0x0  }
0x24: {  	s3 =	sadd.s32 $0x88, s3;
	s6 =	simm.s32 @!p1 $0x1082;
	[sflag:s4] =	ssyncset.s32 $0xFFFFF086  }
0x25: {  	[simem:s6], [sflag:s4] =	dma.local [hbm:s3], $0xF7A  }
0x26: {  	[smem:$0x3F9F] =	sst s1;
	(tag) =	ssettag s2;
	_ =	strace s9  }
0x27: {  	s1 =	sld [smem:$0x3FAF]  }
0x28: {  	s2 =	sld [smem:$0x3FB0]  }
0x29: {  	s4 =	sld [smem:$0x3FB2]  }
0x2a: {  	p0 =	seq.s32 s5, $0x0;
	s5 =	sld [smem:$0x3FB3]  }
0x2b: {  	s6 =	sld [smem:$0x3FB4]  }
0x2c: {  	s7 =	sld [smem:$0x3FB5]  }
0x2d: {  	s3 =	simm.s32 $0x108;
	s8 =	sld [smem:$0x3FB6]  }
0x2e: {  	s3 =	simm.s32 @!p0 $0x1082;
	s9 =	sld [smem:$0x3FB7]  }
0x2f: {  	lr =	sadd.s32 s0, s3;
	s0 =	sld [smem:$0x3FAE]  }
0x30: {  	s3 =	sld [smem:$0x3FB1]  }
0x31: {  	[smem:$0x3FBA] =	sst s10  }
0x32: {  	s10 =	sld [smem:$0x3FB8];
	_ =	sdelay $0x3  }
0x33: {  	p0 =	seq.s32 s10, $0x1;
	s10 =	sld [smem:$0x3FBA];
	_ =	sdelay $0x3  }
0x34: {  	[smem:$0x3FBA] =	sst s10  }
0x35: {  	s10 =	sld [smem:$0x3FB9];
	_ =	sdelay $0x3  }
0x36: {  	p1 =	seq.s32 s10, $0x1;
	s10 =	sld [smem:$0x3FBA];
	_ =	sdelay $0x3  }
0x37: {  	[smem:$0x3FBA] =	sst s10  }
0x38: {  	s10 =	sld [smem:$0x3FBB]  }
0x39: {  	_ = 	snop;
	(pc) =	sbr.ind lr, $3  }
0x3a: {  	_ = 	snop  }
0x3b: {  	_ = 	snop  }
0x3c: {  	p2 =	seq.s32 s10, $0x1;
	s10 =	sld [smem:$0x3FBA]  }
0x3d: {  	_ =	shalt  }
0x3e: {  	_ =	shalt  }
0x3f: {  	_ =	shalt  }
0x40: {  	_ =	shalt  }
0x41: {  	_ =	shalt  }
0x42: {  	_ =	shalt  }
0x43: {  	_ =	shalt  }
0x44: {  	_ =	shalt  }
0x45: {  	_ =	shalt  }
0x46: {  	_ =	shalt  }
0x47: {  	_ =	shalt  }
0x48: {  	_ =	shalt  }
0x49: {  	_ =	shalt  }
0x4a: {  	_ =	shalt  }
0x4b: {  	_ =	shalt  }
0x4c: {  	_ =	shalt  }
0x4d: {  	_ =	shalt  }
0x4e: {  	_ =	shalt  }
0x4f: {  	_ =	shalt  }
0x50: {  	_ =	shalt  }
0x51: {  	_ =	shalt  }
0x52: {  	_ =	shalt  }
0x53: {  	_ =	shalt  }
0x54: {  	_ =	shalt  }
0x55: {  	_ =	shalt  }
0x56: {  	_ =	shalt  }
0x57: {  	_ =	shalt  }
0x58: {  	_ =	shalt  }
0x59: {  	_ =	shalt  }
0x5a: {  	_ =	shalt  }
0x5b: {  	_ =	shalt  }
0x5c: {  	_ =	shalt  }
0x5d: {  	_ =	shalt  }
0x5e: {  	_ =	shalt  }
0x5f: {  	_ =	shalt  }
0x60: {  	_ =	shalt  }
0x61: {  	_ =	shalt  }
0x62: {  	_ =	shalt  }
0x63: {  	_ =	shalt  }
0x64: {  	_ =	shalt  }
0x65: {  	_ =	shalt  }
0x66: {  	_ =	shalt  }
0x67: {  	_ =	shalt  }
0x68: {  	_ =	shalt  }
0x69: {  	_ =	shalt  }
0x6a: {  	_ =	shalt  }
0x6b: {  	_ =	shalt  }
0x6c: {  	_ =	shalt  }
0x6d: {  	_ =	shalt  }
0x6e: {  	_ =	shalt  }
0x6f: {  	_ =	shalt  }
0x70: {  	_ =	shalt  }
0x71: {  	_ =	shalt  }
0x72: {  	_ =	shalt  }
0x73: {  	_ =	shalt  }
0x74: {  	_ =	shalt  }
0x75: {  	_ =	shalt  }
0x76: {  	_ =	shalt  }
0x77: {  	_ =	shalt  }
0x78: {  	_ =	shalt  }
0x79: {  	_ =	shalt  }
0x7a: {  	_ =	shalt  }
0x7b: {  	_ =	shalt  }
0x7c: {  	_ =	shalt  }
0x7d: {  	_ =	shalt  }
0x7e: {  	_ =	shalt  }
0x7f: {  	_ =	shalt  }
0x80: {  	_ =	shalt  }
0x81: {  	_ =	shalt  }
0x82: {  	_ =	shalt  }
0x83: {  	_ =	shalt  }
0x84: {  	_ =	shalt  }
0x85: {  	_ =	shalt  }
0x86: {  	_ =	shalt  }
0x87: {  	_ =	shalt  }
.Lfunc_end0:
.L_simem_size_0:
called_computation_lowered:
.L_overlay_start_0:
0x88: {  	s2 =	sld [smem:$0x3FD9]  }
0x89: {  	s3 =	sld [smem:$0x3FFE];
	_ =	sdelay $0x1  }
0x8a: {  	s1 =	srdreg.scid  }
0x8b: {  	s0 =	sand.u32 $0x1, s1  }
0x8c: {  	s14 =	sshll.u32 s0, $0xA;
	s2 =	sadd.s32 s3, s2  }
0x8d: {  	s2 =	sadd.s32 s2, s14  }
0x8e: {  	[smem:$0x3FC6] =	sst s2  }
0x8f: {  	_ = 	snop  }
0x90: {  	s2 =	sld [smem:$0x3FD0];
	_ =	sdelay $0x2  }
0x91: {  	s4 =	simm.s32 $0xA;
	s5 =	simm.s32 $0x10;
	s15 =	sld [smem:$0x3FC9]  }
0x92: {  	[smem:s5], [sflag:s4] =	dma.local [hbm:s2], $0x1  }
0x93: {  	_ =	swait.eq [sflag:s4], $0x1  }
0x94: {  	[sflag:s4] =	ssyncset.done $0x0  }
0x95: {  	s16 =	sld [smem:$0x10];
	[sflag:s4] =	ssyncadd.s32 $0xFFFFFFFF  }
0x96: {  	s17 =	sld [smem:$0x11];
	(tm) =	ssettm $0x1  }
0x97: {  	s18 =	sld [smem:$0x3FFB];
	_ =	sdelay $0x3  }
0x98: {  	_ =	strace s18  }
0x99: {  	s5 =	sld [smem:$0x3FFC];
	_ =	sdelay $0x3  }
0x9a: {  	_ =	strace s5  }
0x9b: {  	s5 =	sld [smem:$0x3FFD];
	_ =	sdelay $0x3  }
0x9c: {  	_ =	strace s5  }
0x9d: {  	_ =	strace $0x8FFFFFFF  }
0x9e: {  	s19 =	sld [smem:$0x3FDB];
	_ =	sdelay $0x1  }
0x9f: {  	s6 =	simm.s32 $_scs_section_size  }
0xa0: {  	s7 =	simm.s32 $_size__tile_overlayer_lowered;
	s8 =	simm.s32 $_tile_overlayer_lowered  }
0xa1: {  	s22 =	simm.s32 $0x1BFF;
	s21 =	sshll.u32 s8, $0x1;
	s5 =	sadd.s32 s6, s19  }
0xa2: {  	s9 =	simm.s32 $0x0;
	s20 =	sshll.u32 s7, $0x1;
	s7 =	sadd.s32 s21, s5  }
0xa3: {  	[timem:s9], [sflag:s22] =	dma.local [hbm:s7], s20  }
0xa4: {  	_ =	swait.ge [sflag:s22], s20  }
0xa5: {  	s6 =	ssub.s32 $0x0, s20;
	[sflag:s22] =	ssyncset.done $0x0  }
0xa6: {  	[sflag:s22] =	ssyncadd.s32 s6;
	_ =	sdelay $0x1  }
0xa7: {  	s23 =	simm.s32 $0x1B8B  }
0xa8: {  	_ =	swait.ge [sflag:s23], $0x1  }
0xa9: {  	[sflag:s23] =	ssyncset.done $0x0  }
0xaa: {  	s25 =	simm.s32 $0x1B8E;
	s24 =	sld [smem:$0x3FFE];
	[sflag:s23] =	ssyncadd.s32 $0xFFFFFFFF  }
0xab: {  	s26 =	simm.s32 $execute0_lowered;
	[smem:$0x3FD2] =	sst s25  }
0xac: {  	s7 =	sshll.u32 s26, $0x1;
	_ =	strace $0x80000046;
	[dreg:$0x1] =	wrdreg $0xFFFFFFFF  }
0xad: {  	s28 =	simm.s32 $_size_execute0_lowered;
	s5 =	sadd.s32 s5, s7;
	[dreg:$0x0] =	wrdreg $0x0  }
0xae: {  	s7 =	sshll.u32 s28, $0x1;
	[dreg:$0x2] =	wrdreg s5  }
0xaf: {  	[dreg:$0x3] =	wrdreg s7  }
0xb0: {  	[dreg:$0x4] =	wrdreg $0xC0  }
0xb1: {  	_ =	task [dreg:s9], $0x5FFFF  }
0xb2: {  	[dreg:$0x1] =	wrdreg $0xFFFFFFFF  }
0xb3: {  	[dreg:$0x0] =	wrdreg $0x60  }
0xb4: {  	[dreg:$0x2] =	wrdreg s15  }
0xb5: {  	[dreg:$0x3] =	wrdreg s24  }
0xb6: {  	[dreg:$0x4] =	wrdreg s16  }
0xb7: {  	[dreg:$0x5] =	wrdreg s17  }
0xb8: {  	[dreg:$0x6] =	wrdreg $0xBA200  }
0xb9: {  	[dreg:$0x7] =	wrdreg $0xBAA00  }
0xba: {  	[dreg:$0x8] =	wrdreg $0x9  }
0xbb: {  	_ =	task.clear_ibuf [dreg:s9], $0x9FFFF;
	_ =	strace $0x90000046  }
0xbc: {  	s29 =	simm.s32 $0x9;
	_ =	strace $0x80000048  }
0xbd: {  	_ =	swait.ge [sflag:s29], $0x1  }
0xbe: {  	[sflag:s29] =	ssyncadd.s32 $0xFFFFFFFF  }
0xbf: {  	_ =	strace $0x90000048  }
0xc0: {  	_ =	sfence  }
0xc1: {  	s30 =	sld [smem:$0x0];
	_ =	sdelay $0x2  }
0xc2: {  	s31 =	sshll.u32 s1, $0xD;
	s1 =	sshrl.u32 s1, $0x2  }
0xc3: {  	s3 =	sand.u32 $0x4000, s31;
	s1 =	sadd.s32 s1, s30  }
0xc4: {  	s0 =	sor.u32 s3, s0;
	s1 =	sshll.u32 s1, $0x11  }
0xc5: {  	s0 =	sor.u32 s1, s0  }
0xc6: {  	s0 =	sadd.s32 $0x8F2B, s0  }
0xc7: {  	[sflag:s0] =	ssyncadd.remote.s32 $0x1  }
0xc8: {  	_ =	sfence.sel $0xFFFF  }
0xc9: {  	[dreg:$0x0] =	wrdreg $0xFFFFFFFF;
	(pc) =	sbr.abs _section_cstart, $3  }
0xca: {  	[dreg:$0x1] =	wrdreg $0xFFFFFFFF  }
0xcb: {  	_ =	task.clear_ibuf [dreg:s9], $0x2FFFF;
	_ =	strace $0x9FFFFFFF  }
0xcc: {  	(tm) =	ssettm $0x7FFFFFFF  }
0xcd: {  	_ =	shalt  }
tec
execute0_lowered:
.L_overlay_start_1:
0x0: {  	(tag) =	ssettag $0x1  }
0x1: {  	s6 =	rddreg [dreg:$0x0];
	s2 =	srdreg.scid  }
0x2: {  	s9 =	rddreg [dreg:$0x1];
	s2 =	sand.u32 $0x1, s2  }
0x3: {  	s4 =	rddreg [dreg:$0x2];
	p0 =	seq.s32 s2, $0x1  }
.Ltmp0:
0x4: {  	s1 =	rddreg [dreg:$0x3];
	(pc) =	sbr.rel @p0 .LBB2_23-.Ltmp0, $4  }
0x5: {  	s7 =	rddreg [dreg:$0x4]  }
0x6: {  	s3 =	rddreg [dreg:$0x5];
	s8 =	simm.s32 $0x0  }
0x7: {  	[smem:$0x7FF] =	sst s8  }
0x8: {  	s0 =	rddreg [dreg:$0x6];
	_ =	strace $0x80000047;
	s2 =	stileid.u32  }
0x9: {  	s5 =	sshll.u32 s2, $0x2;
	s9 =	sadd.s32 $0x800, s9;
	s13 =	simm.s32 $0x1  }
0xa: {  	s11 =	simm.s32 $0x20;
	s12 =	simm.s32 $0x200;
	s10 =	sadd.s32 s6, s5;
	v0 =	vmov s13  }
0xb: {  	v1 =	vlaneseq.u32;
	[tilespmem:s8], [sflag:$0x1] =	stream.strided.gather [hbm4b:s10+s11], $0x800, s12, s11, $0x38;
	v2 =	vand.u32 $0x1D, v0;
	[tilespmem:$0xBB20] =	vst v63  }
0xc: {  	s24 =	simm.s32 $0x800;
	s23 =	sadd.s32 s9, s5;
	v0 =	vmul.u32 $0x20, v1;
	v1 =	vmov s8;
	v4 =	vbroadcast v2, $0x0  }
0xd: {  	v2 =	vand.u32 $0x1C, v1;
	[tilespmem:s24], [sflag:$0x2] =	stream.strided.gather [hbm4b:s23+s11], $0x800, s12, s11, $0x38;
	[tilespmem:$0xBB20] =	vst v63  }
0xe: {  	s25 =	simm.s32 $0x40;
	s26 =	simm.s32 $0x1000;
	s28 =	simm.s32 $0x1;
	v1 =	vor.u32 $0x200, v0;
	v6 =	vbroadcast v2, $0x0;
	v5 =	vor.u32 v0, v4  }
0xf: {  	v7 =	vor.u32 v1, v4;
	[tilespmem:s26], [sflag:$0x3] =	stream.strided.gather [hbm4b:s9+s25], $0x1000, s12, s25, $0x38;
	[tilespmem:$0xBB20] =	vst v63  }
0x10: {  	v8 =	vor.u32 v0, v6;
	_ =	swait.ge [sflag:s28], $0x800  }
0x11: {  	s29 =	simm.s32 $0x2;
	v2 =	vor.u32 $0x400, v0;
	v9 =	vor.u32 v1, v6;
	[sflag:s28] =	ssyncset.done $0x0  }
0x12: {  	v3 =	vmov s29;
	v11 =	vor.u32 v2, v6;
	[sflag:s28] =	ssyncadd.s32 $0xFFFFF800  }
0x13: {  	v10 =	vand.u32 $0x1E, v3;
	v3 =	vor.u32 $0x600, v0;
	v12 =	vor.u32 v2, v4;
	v14 =	vld.idx.msk [tilespmem:v5+s8+$0x0], $0xffff  }
0x14: {  	s30 =	simm.s32 $0x3;
	v10 =	vbroadcast v10, $0x0;
	v4 =	vor.u32 v3, v4;
	v5 =	vld.idx.msk [tilespmem:v7+s8+$0x0], $0xffff  }
0x15: {  	v13 =	vmov s30;
	v6 =	vor.u32 v3, v6;
	v7 =	vld.idx.msk [tilespmem:v8+s8+$0x0], $0xffff  }
0x16: {  	v13 =	vand.u32 $0x1F, v13;
	v8 =	vor.u32 v3, v10;
	v9 =	vld.idx.msk [tilespmem:v9+s8+$0x0], $0xffff  }
0x17: {  	v16 =	vor.u32 v1, v10;
	v19 =	vld.idx.msk [tilespmem:v11+s8+$0x0], $0xffff;
	v11 =	vbroadcast v13, $0x0  }
0x18: {  	v15 =	vld.idx.msk [tilespmem:v12+s8+$0x0], $0xffff;
	v12 =	vor.u32 v2, v10;
	v10 =	vor.u32 v0, v10  }
0x19: {  	v17 =	vld.idx.msk [tilespmem:v4+s8+$0x0], $0xffff;
	v13 =	vimm.f32 $0.0e+00;
	v20 =	vor.u32 v0, v11  }
0x1a: {  	v26 =	vld.idx.msk [tilespmem:v6+s8+$0x0], $0xffff;
	v22 =	vor.u32 v1, v11;
	v24 =	vmul.f32 v14, v14;
	v21 =	vmul.f32 v7, v7  }
0x1b: {  	v4 =	vld.idx.msk [tilespmem:v8+s8+$0x0], $0xffff;
	v8 =	vor.u32 v3, v11;
	v23 =	vadd.f32 v7, v13;
	v6 =	vmul.f32 v9, v9  }
0x1c: {  	v27 =	vmul.f32 v5, v5;
	v18 =	vadd.f32 v9, v13;
	v7 =	vld.idx.msk [tilespmem:v16+s8+$0x0], $0xffff;
	v9 =	vadd.f32 v21, v13  }
0x1d: {  	v16 =	vld.idx.msk [tilespmem:v10+s8+$0x0], $0xffff;
	v10 =	vadd.f32 v19, v13;
	v19 =	vmul.f32 v19, v19;
	v25 =	vadd.f32 v6, v13  }
0x1e: {  	v12 =	vld.idx.msk [tilespmem:v12+s8+$0x0], $0xffff;
	v21 =	vadd.f32 v14, v23;
	v14 =	vadd.f32 v24, v9  }
0x1f: {  	v11 =	vor.u32 v2, v11;
	v23 =	vadd.f32 v27, v25;
	v9 =	vld.idx.msk [tilespmem:v22+s8+$0x0], $0xffff;
	v24 =	vadd.f32 v19, v13  }
0x20: {  	s31 =	sshll.u32 s2, $0x7;
	s5 =	sadd.s32 s4, s5;
	v25 =	vadd.f32 v26, v13;
	v22 =	vmul.f32 v26, v26;
	v6 =	vld.idx.msk [tilespmem:v8+s8+$0x0], $0xffff;
	v8 =	vmul.f32 v17, v17  }
0x21: {  	s4 =	sadd.s32 s31, s3;
	s10 =	simm.s32 $0x4;
	s9 =	sadd.s32 s31, s7;
	v20 =	vld.idx.msk [tilespmem:v20+s8+$0x0], $0xffff;
	v19 =	vadd.f32 v15, v10;
	v26 =	vmul.f32 v7, v7;
	v10 =	vmul.f32 v4, v4  }
.LBB2_2:
0x22: {  	s11 =	sadd.s32 $0x1, s10  }
0x23: {  	p0 =	slt.u32 s10, $0x1C;
	v15 =	vmul.f32 v15, v15;
	v17 =	vadd.f32 v17, v25;
	v25 =	vmul.f32 v12, v12;
	s12 =	smov.u32 s10;
	s10 =	sadd.s32 $0x4, s10  }
0x24: {  	v21 =	vadd.f32 v16, v21;
	v27 =	vmov s11;
	v23 =	vadd.f32 v26, v23  }
0x25: {  	v18 =	vadd.f32 v5, v18;
	v26 =	vand.u32 $0x1D, v27;
	v15 =	vadd.f32 v15, v24  }
0x26: {  	v5 =	vmov s12;
	s11 =	sadd.s32 $0x3, s12;
	v24 =	vbroadcast v26, $0x0;
	v26 =	vmul.f32 v6, v6  }
0x27: {  	v5 =	vand.u32 $0x1C, v5;
	v27 =	vmov s11;
	v28 =	vmul.f32 v9, v9  }
0x28: {  	v13 =	vadd.f32 v22, v13;
	s11 =	sadd.s32 $0x2, s12;
	v5 =	vbroadcast v5, $0x0;
	v29 =	vor.u32 v0, v24  }
0x29: {  	v30 =	vmov s11;
	v21 =	vadd.f32 v20, v21;
	v22 =	vor.u32 v1, v24;
	v11 =	vld.idx.msk [tilespmem:v11+s8+$0x0], $0xffff  }
0x2a: {  	v23 =	vadd.f32 v28, v23;
	v31 =	vor.u32 v0, v5;
	v32 =	vor.u32 v1, v5  }
0x2b: {  	v20 =	vmul.f32 v20, v20;
	v30 =	vand.u32 $0x1E, v30;
	v28 =	vor.u32 v3, v5  }
0x2c: {  	v12 =	vadd.f32 v12, v19;
	v33 =	vor.u32 v2, v5;
	v30 =	vbroadcast v30, $0x0  }
0x2d: {  	v16 =	vmul.f32 v16, v16;
	v19 =	vld.idx.msk [tilespmem:v29+s8+$0x0], $0xffff;
	v29 =	vor.u32 v2, v24;
	v24 =	vor.u32 v3, v24  }
0x2e: {  	v15 =	vadd.f32 v25, v15;
	v34 =	vor.u32 v1, v30;
	v5 =	vld.idx.msk [tilespmem:v22+s8+$0x0], $0xffff;
	v22 =	vor.u32 v0, v30  }
0x2f: {  	v14 =	vadd.f32 v16, v14;
	v16 =	vmul.f32 v11, v11;
	v25 =	vld.idx.msk [tilespmem:v31+s8+$0x0], $0xffff;
	v31 =	vor.u32 v3, v30  }
0x30: {  	v7 =	vadd.f32 v7, v18;
	v4 =	vadd.f32 v4, v17;
	v27 =	vand.u32 $0x1F, v27;
	v32 =	vld.idx.msk [tilespmem:v32+s8+$0x0], $0xffff  }
0x31: {  	v18 =	vbroadcast v27, $0x0;
	v27 =	vadd.f32 v11, v12;
	v35 =	vadd.f32 v16, v15;
	v33 =	vld.idx.msk [tilespmem:v33+s8+$0x0], $0xffff  }
0x32: {  	v8 =	vadd.f32 v8, v13;
	v12 =	vor.u32 v2, v30;
	v15 =	vld.idx.msk [tilespmem:v29+s8+$0x0], $0xffff;
	v29 =	vadd.f32 v6, v4  }
0x33: {  	v30 =	vor.u32 v0, v18;
	v6 =	vadd.f32 v9, v7;
	v17 =	vld.idx.msk [tilespmem:v24+s8+$0x0], $0xffff;
	v24 =	vor.u32 v1, v18  }
0x34: {  	v8 =	vadd.f32 v10, v8;
	v11 =	vor.u32 v2, v18;
	v9 =	vor.u32 v3, v18;
	v4 =	vld.idx.msk [tilespmem:v31+s8+$0x0], $0xffff  }
0x35: {  	v14 =	vadd.f32 v20, v14;
	v10 =	vadd.f32 v25, v21;
	v16 =	vmul.f32 v25, v25;
	v28 =	vld.idx.msk [tilespmem:v28+s8+$0x0], $0xffff  }
0x36: {  	v13 =	vadd.f32 v26, v8;
	v18 =	vadd.f32 v32, v6;
	v6 =	vmul.f32 v32, v32;
	v7 =	vld.idx.msk [tilespmem:v34+s8+$0x0], $0xffff  }
0x37: {  	v8 =	vadd.f32 v16, v14;
	v21 =	vadd.f32 v19, v10;
	v10 =	vmul.f32 v19, v19;
	v12 =	vld.idx.msk [tilespmem:v12+s8+$0x0], $0xffff  }
.Ltmp1:
0x38: {  	v20 =	vmul.f32 v5, v5;
	v19 =	vadd.f32 v6, v23;
	v16 =	vld.idx.msk [tilespmem:v22+s8+$0x0], $0xffff;
	(pc) =	sbr.rel @p0 .LBB2_2-.Ltmp1, $4  }
0x39: {  	v26 =	vadd.f32 v33, v27;
	v22 =	vmul.f32 v33, v33;
	v14 =	vadd.f32 v10, v8;
	v6 =	vld.idx.msk [tilespmem:v9+s8+$0x0], $0xffff  }
0x3a: {  	v8 =	vmul.f32 v17, v17;
	v23 =	vadd.f32 v20, v19;
	v9 =	vld.idx.msk [tilespmem:v24+s8+$0x0], $0xffff  }
0x3b: {  	v24 =	vadd.f32 v22, v35;
	v25 =	vadd.f32 v28, v29;
	v22 =	vmul.f32 v28, v28;
	v20 =	vld.idx.msk [tilespmem:v30+s8+$0x0], $0xffff  }
0x3c: {  	v19 =	vadd.f32 v15, v26;
	v10 =	vmul.f32 v4, v4;
	v26 =	vmul.f32 v7, v7  }
0x3d: {  	_ =	sdelay $0x1  }
0x3e: {  	v0 =	vmul.f32 v15, v15;
	v1 =	vadd.f32 v17, v25;
	v2 =	vadd.f32 v16, v21  }
0x3f: {  	v15 =	vmul.f32 v16, v16;
	v5 =	vadd.f32 v5, v18;
	v13 =	vadd.f32 v22, v13  }
0x40: {  	v11 =	vld.idx.msk [tilespmem:v11+s8+$0x0], $0xffff;
	v3 =	vadd.f32 v26, v23;
	v0 =	vadd.f32 v0, v24  }
0x41: {  	v16 =	vmul.f32 v9, v9;
	v14 =	vadd.f32 v15, v14;
	v5 =	vadd.f32 v7, v5  }
0x42: {  	v7 =	vmul.f32 v12, v12;
	v12 =	vadd.f32 v12, v19;
	v2 =	vadd.f32 v20, v2  }
0x43: {  	v1 =	vadd.f32 v4, v1;
	v5 =	vadd.f32 v9, v5  }
0x44: {  	v17 =	vmul.f32 v20, v20;
	v3 =	vadd.f32 v16, v3;
	v0 =	vadd.f32 v7, v0;
	[tilespmem:$0x2800] =	vst v2  }
0x45: {  	v7 =	vadd.f32 v8, v13;
	v1 =	vadd.f32 v6, v1;
	v2 =	vmul.f32 v11, v11;
	[tilespmem:$0x2810] =	vst v5  }
0x46: {  	v14 =	vadd.f32 v17, v14;
	v4 =	vadd.f32 v11, v12;
	[tilespmem:$0x2850] =	vst v3  }
0x47: {  	v5 =	vmul.f32 v6, v6;
	[tilespmem:$0x2830] =	vst v1;
	v0 =	vadd.f32 v2, v0;
	v2 =	vadd.f32 v10, v7  }
0x48: {  	[tilespmem:$0x2840] =	vst v14  }
0x49: {  	[tilespmem:$0x2820] =	vst v4;
	v2 =	vadd.f32 v5, v2  }
0x4a: {  	[tilespmem:$0x2860] =	vst v0  }
0x4b: {  	s30 =	simm.s32 $0x2800;
	s31 =	simm.s32 $0x4;
	[tilespmem:$0x2870] =	vst v2  }
0x4c: {  	[spmem:s9] =	stream.linear.scatter [tilespmem:s30], [sflag:$0x4], $0x80, $0x38;
	[tilespmem:$0xBB20] =	vst v63  }
0x4d: {  	_ =	swait.ge [sflag:s31], $0x80  }
0x4e: {  	[sflag:s31] =	ssyncset.done $0x0  }
0x4f: {  	s10 =	simm.s32 $0x0;
	v2 =	vlaneseq.u32;
	[sflag:s31] =	ssyncadd.s32 $0xFFFFFF80  }
0x50: {  	s8 =	simm.s32 $0x2880;
	v3 =	vor.u32 $0x10, v2;
	v0 =	vor.u32 s10, v2;
	[bflag:$0x0] =	sbarrier.arrive $0xFFFF  }
0x51: {  	v4 =	vor.u32 $0x20, v2;
	v8 =	vor.u32 s10, v3;
	[tilespmem:s8], [sflag:$0x4] =	stream.linear.gather [spmem:s7], $0x800, $0x38;
	[tilespmem:$0xBB20] =	vst v63  }
0x52: {  	v5 =	vor.u32 $0x30, v2;
	v9 =	vor.u32 s10, v4;
	_ =	swait.ge [sflag:s31], $0x800  }
0x53: {  	v6 =	vor.u32 $0x40, v2;
	v10 =	vor.u32 s10, v5;
	[sflag:s31] =	ssyncset.done $0x0  }
0x54: {  	v7 =	vor.u32 $0x50, v2;
	v11 =	vor.u32 s10, v6;
	[sflag:s31] =	ssyncadd.s32 $0xFFFFF800  }
0x55: {  	v1 =	vor.u32 $0x60, v2;
	v12 =	vor.u32 s10, v7;
	v15 =	vld.idx.msk [tilespmem:v0+s8+$0x0], $0xffff  }
0x56: {  	s11 =	simm.s32 $0x80;
	v13 =	vor.u32 s10, v1;
	v20 =	vld.idx.msk [tilespmem:v8+s8+$0x0], $0xffff  }
0x57: {  	v27 =	vor.u32 s11, v4;
	v21 =	vld.idx.msk [tilespmem:v9+s8+$0x0], $0xffff  }
0x58: {  	v35 =	vor.u32 s11, v5;
	s7 =	simm.s32 $0x180;
	v25 =	vld.idx.msk [tilespmem:v10+s8+$0x0], $0xffff  }
0x59: {  	v14 =	vor.u32 s7, v3;
	v8 =	vld.idx.msk [tilespmem:v11+s8+$0x0], $0xffff  }
0x5a: {  	v16 =	vor.u32 s7, v4;
	v11 =	vld.idx.msk [tilespmem:v12+s8+$0x0], $0xffff  }
0x5b: {  	v18 =	vor.u32 s7, v5;
	v12 =	vld.idx.msk [tilespmem:v13+s8+$0x0], $0xffff  }
0x5c: {  	v0 =	vor.u32 $0x70, v2;
	v10 =	vor.u32 s7, v2;
	v34 =	vld.idx.msk [tilespmem:v27+s8+$0x0], $0xffff  }
0x5d: {  	v35 =	vld.idx.msk [tilespmem:v35+s8+$0x0], $0xffff;
	v9 =	vor.u32 s10, v0;
	s10 =	simm.s32 $0x100  }
0x5e: {  	v19 =	vor.u32 s10, v2;
	v22 =	vld.idx.msk [tilespmem:v14+s8+$0x0], $0xffff  }
0x5f: {  	v14 =	vor.u32 s10, v3;
	v23 =	vld.idx.msk [tilespmem:v16+s8+$0x0], $0xffff  }
0x60: {  	v16 =	vor.u32 s11, v2;
	v24 =	vld.idx.msk [tilespmem:v18+s8+$0x0], $0xffff  }
0x61: {  	v18 =	vor.u32 s11, v3;
	v17 =	vld.idx.msk [tilespmem:v10+s8+$0x0], $0xffff  }
0x62: {  	v10 =	vor.u32 s7, v7;
	v13 =	vld.idx.msk [tilespmem:v9+s8+$0x0], $0xffff  }
0x63: {  	v9 =	vor.u32 s7, v6;
	v30 =	vld.idx.msk [tilespmem:v19+s8+$0x0], $0xffff  }
0x64: {  	v39 =	vor.u32 s10, v4;
	v31 =	vld.idx.msk [tilespmem:v14+s8+$0x0], $0xffff  }
0x65: {  	v29 =	vimm.f32 $0.0e+00;
	v28 =	vimm.f32 $0.0e+00;
	v40 =	vor.u32 s10, v5;
	v32 =	vld.idx.msk [tilespmem:v16+s8+$0x0], $0xffff  }
0x66: {  	v26 =	vimm.f32 $0.0e+00;
	v36 =	vor.u32 s11, v6;
	v38 =	vor.u32 s10, v6;
	v33 =	vld.idx.msk [tilespmem:v18+s8+$0x0], $0xffff  }
0x67: {  	v27 =	vimm.f32 $0.0e+00;
	v37 =	vor.u32 s10, v7;
	v18 =	vimm.f32 $0.0e+00;
	v10 =	vld.idx.msk [tilespmem:v10+s8+$0x0], $0xffff  }
0x68: {  	s9 =	simm.s32 $0x4;
	v19 =	vimm.f32 $0.0e+00;
	v16 =	vimm.f32 $0.0e+00;
	v14 =	vimm.f32 $0.0e+00;
	v9 =	vld.idx.msk [tilespmem:v9+s8+$0x0], $0xffff  }
.LBB2_4:
0x69: {  	p0 =	slt.u32 s9, $0xC;
	v41 =	vor.u32 s11, v7;
	v39 =	vld.idx.msk [tilespmem:v39+s8+$0x0], $0xffff  }
0x6a: {  	v42 =	vor.u32 s11, v1;
	v40 =	vld.idx.msk [tilespmem:v40+s8+$0x0], $0xffff  }
0x6b: {  	v15 =	vadd.f32 v15, v26;
	v20 =	vadd.f32 v20, v29;
	v26 =	vor.u32 s11, v0;
	v38 =	vld.idx.msk [tilespmem:v38+s8+$0x0], $0xffff  }
0x6c: {  	v21 =	vadd.f32 v21, v27;
	v25 =	vadd.f32 v25, v28;
	v27 =	vor.u32 s10, v1;
	v37 =	vld.idx.msk [tilespmem:v37+s8+$0x0], $0xffff  }
0x6d: {  	v28 =	vor.u32 s10, v0;
	v15 =	vadd.f32 v32, v15;
	v20 =	vadd.f32 v33, v20;
	v32 =	vld.idx.msk [tilespmem:v36+s8+$0x0], $0xffff  }
0x6e: {  	v21 =	vadd.f32 v34, v21;
	v34 =	vor.u32 s7, v1;
	v25 =	vadd.f32 v35, v25;
	v33 =	vld.idx.msk [tilespmem:v41+s8+$0x0], $0xffff  }
0x6f: {  	s11 =	sshll.u32 s9, $0x7;
	v15 =	vadd.f32 v30, v15;
	v20 =	vadd.f32 v31, v20;
	v30 =	vor.u32 s7, v0;
	v35 =	vld.idx.msk [tilespmem:v42+s8+$0x0], $0xffff  }
0x70: {  	v31 =	vor.u32 s11, v2;
	v21 =	vadd.f32 v39, v21;
	v25 =	vadd.f32 v40, v25;
	v36 =	vld.idx.msk [tilespmem:v26+s8+$0x0], $0xffff  }
0x71: {  	v39 =	vor.u32 s11, v3;
	v29 =	vadd.f32 v22, v20;
	v26 =	vadd.f32 v17, v15;
	v40 =	vld.idx.msk [tilespmem:v27+s8+$0x0], $0xffff  }
0x72: {  	v17 =	vor.u32 s11, v4;
	v27 =	vadd.f32 v23, v21;
	v22 =	vld.idx.msk [tilespmem:v28+s8+$0x0], $0xffff;
	v28 =	vadd.f32 v24, v25  }
0x73: {  	v8 =	vadd.f32 v8, v18;
	v11 =	vadd.f32 v11, v19;
	v23 =	vor.u32 s11, v5;
	v24 =	vld.idx.msk [tilespmem:v34+s8+$0x0], $0xffff  }
0x74: {  	v12 =	vadd.f32 v12, v16;
	v13 =	vadd.f32 v13, v14;
	v18 =	vor.u32 s11, v6;
	v14 =	vld.idx.msk [tilespmem:v30+s8+$0x0], $0xffff  }
0x75: {  	v16 =	vor.u32 s11, v7;
	v8 =	vadd.f32 v32, v8;
	v11 =	vadd.f32 v33, v11;
	v15 =	vld.idx.msk [tilespmem:v31+s8+$0x0], $0xffff  }
0x76: {  	v30 =	vor.u32 s11, v1;
	v12 =	vadd.f32 v35, v12;
	v13 =	vadd.f32 v36, v13;
	v20 =	vld.idx.msk [tilespmem:v39+s8+$0x0], $0xffff  }
0x77: {  	s7 =	sadd.s32 $0x180, s11;
	v19 =	vadd.f32 v38, v8;
	v11 =	vadd.f32 v37, v11;
	v21 =	vld.idx.msk [tilespmem:v17+s8+$0x0], $0xffff;
	v17 =	vor.u32 s11, v0  }
0x78: {  	v12 =	vadd.f32 v40, v12;
	v13 =	vadd.f32 v22, v13;
	v25 =	vld.idx.msk [tilespmem:v23+s8+$0x0], $0xffff;
	v23 =	vor.u32 s7, v2  }
0x79: {  	v22 =	vor.u32 s7, v3;
	v8 =	vld.idx.msk [tilespmem:v18+s8+$0x0], $0xffff;
	v18 =	vadd.f32 v9, v19;
	v19 =	vadd.f32 v10, v11  }
0x7a: {  	v9 =	vor.u32 s7, v4;
	v14 =	vadd.f32 v14, v13;
	v11 =	vld.idx.msk [tilespmem:v16+s8+$0x0], $0xffff;
	v16 =	vadd.f32 v24, v12  }
0x7b: {  	v10 =	vor.u32 s7, v5;
	v12 =	vld.idx.msk [tilespmem:v30+s8+$0x0], $0xffff  }
0x7c: {  	v30 =	vor.u32 s7, v6;
	v13 =	vld.idx.msk [tilespmem:v17+s8+$0x0], $0xffff  }
0x7d: {  	s10 =	sadd.s32 $0x100, s11;
	v31 =	vor.u32 s7, v7;
	v17 =	vld.idx.msk [tilespmem:v23+s8+$0x0], $0xffff  }
0x7e: {  	v32 =	vor.u32 s10, v2;
	v22 =	vld.idx.msk [tilespmem:v22+s8+$0x0], $0xffff  }
0x7f: {  	v33 =	vor.u32 s10, v3;
	s11 =	sadd.s32 $0x80, s11;
	v23 =	vld.idx.msk [tilespmem:v9+s8+$0x0], $0xffff  }
0x80: {  	v34 =	vor.u32 s11, v2;
	v24 =	vld.idx.msk [tilespmem:v10+s8+$0x0], $0xffff  }
0x81: {  	v35 =	vor.u32 s11, v3;
	v9 =	vld.idx.msk [tilespmem:v30+s8+$0x0], $0xffff  }
0x82: {  	v36 =	vor.u32 s11, v4;
	v10 =	vld.idx.msk [tilespmem:v31+s8+$0x0], $0xffff  }
0x83: {  	v41 =	vor.u32 s11, v5;
	v30 =	vld.idx.msk [tilespmem:v32+s8+$0x0], $0xffff  }
.Ltmp2:
0x84: {  	v39 =	vor.u32 s10, v4;
	v31 =	vld.idx.msk [tilespmem:v33+s8+$0x0], $0xffff;
	(pc) =	sbr.rel @p0 .LBB2_4-.Ltmp2, $4  }
0x85: {  	v40 =	vor.u32 s10, v5;
	v32 =	vld.idx.msk [tilespmem:v34+s8+$0x0], $0xffff  }
0x86: {  	v38 =	vor.u32 s10, v6;
	v33 =	vld.idx.msk [tilespmem:v35+s8+$0x0], $0xffff  }
0x87: {  	v37 =	vor.u32 s10, v7;
	v34 =	vld.idx.msk [tilespmem:v36+s8+$0x0], $0xffff  }
0x88: {  	s9 =	sadd.s32 $0x4, s9;
	v36 =	vor.u32 s11, v6;
	v35 =	vld.idx.msk [tilespmem:v41+s8+$0x0], $0xffff  }
0x89: {  	_ =	sdelay $0x3  }
0x8a: {  	v2 =	vor.u32 s11, v7;
	v3 =	vld.idx.msk [tilespmem:v39+s8+$0x0], $0xffff;
	v6 =	vadd.f32 v15, v26;
	v7 =	vadd.f32 v20, v29  }
0x8b: {  	v4 =	vor.u32 s11, v1;
	v5 =	vld.idx.msk [tilespmem:v40+s8+$0x0], $0xffff;
	v21 =	vadd.f32 v21, v27;
	v25 =	vadd.f32 v25, v28  }
0x8c: {  	v15 =	vor.u32 s11, v0;
	v60 =	vld.idx.msk [tilespmem:v36+s8+$0x0], $0xffff;
	v8 =	vadd.f32 v8, v18;
	v11 =	vadd.f32 v11, v19  }
0x8d: {  	v20 =	vld.idx.msk [tilespmem:v38+s8+$0x0], $0xffff;
	v27 =	vor.u32 s10, v1;
	v12 =	vadd.f32 v12, v16;
	v13 =	vadd.f32 v13, v14  }
0x8e: {  	v26 =	vld.idx.msk [tilespmem:v37+s8+$0x0], $0xffff;
	v61 =	vor.u32 s10, v0;
	v6 =	vadd.f32 v32, v6;
	v7 =	vadd.f32 v33, v7  }
0x8f: {  	v1 =	vor.u32 s7, v1;
	v21 =	vadd.f32 v34, v21;
	v25 =	vadd.f32 v35, v25;
	v2 =	vld.idx.msk [tilespmem:v2+s8+$0x0], $0xffff  }
0x90: {  	v0 =	vor.u32 s7, v0;
	v6 =	vadd.f32 v30, v6;
	v7 =	vadd.f32 v31, v7;
	v4 =	vld.idx.msk [tilespmem:v4+s8+$0x0], $0xffff  }
0x91: {  	v3 =	vadd.f32 v3, v21;
	v15 =	vld.idx.msk [tilespmem:v15+s8+$0x0], $0xffff;
	v8 =	vadd.f32 v60, v8  }
0x92: {  	v5 =	vadd.f32 v5, v25;
	v6 =	vadd.f32 v17, v6;
	v17 =	vld.idx.msk [tilespmem:v27+s8+$0x0], $0xffff  }
0x93: {  	v18 =	vld.idx.msk [tilespmem:v61+s8+$0x0], $0xffff;
	v7 =	vadd.f32 v22, v7;
	v3 =	vadd.f32 v23, v3  }
0x94: {  	v1 =	vld.idx.msk [tilespmem:v1+s8+$0x0], $0xffff;
	v8 =	vadd.f32 v20, v8;
	v2 =	vadd.f32 v2, v11  }
0x95: {  	v0 =	vld.idx.msk [tilespmem:v0+s8+$0x0], $0xffff;
	v5 =	vadd.f32 v24, v5;
	[tilespmem:$0x3080] =	vst v6;
	v4 =	vadd.f32 v4, v12  }
0x96: {  	[tilespmem:$0x3090] =	vst v7;
	v6 =	vadd.f32 v15, v13;
	v2 =	vadd.f32 v26, v2  }
0x97: {  	v7 =	vadd.f32 v9, v8;
	[tilespmem:$0x30A0] =	vst v3;
	v4 =	vadd.f32 v17, v4  }
0x98: {  	[tilespmem:$0x30B0] =	vst v5;
	v3 =	vadd.f32 v18, v6;
	v2 =	vadd.f32 v10, v2  }
0x99: {  	s12 =	simm.s32 $0x1;
	[tilespmem:$0x30C0] =	vst v7;
	v4 =	vadd.f32 v1, v4  }
0x9a: {  	v5 =	vmov s12;
	v0 =	vadd.f32 v0, v3;
	[tilespmem:$0x30D0] =	vst v2  }
0x9b: {  	s13 =	simm.s32 $0x0;
	v1 =	vlaneseq.u32;
	v3 =	vshll.u32 v5, $0x5;
	[tilespmem:$0x30E0] =	vst v4  }
0x9c: {  	s31 =	simm.s32 $0x2;
	v4 =	vor.u32 v1, v3;
	[tilespmem:$0x30F0] =	vst v0;
	v0 =	vmov s13  }
0x9d: {  	_ =	swait.ge [sflag:s31], $0x800;
	v6 =	vshll.u32 v0, $0x5  }
0x9e: {  	v2 =	vor.u32 $0x10, v1;
	[sflag:s31] =	ssyncset.done $0x0;
	v7 =	vor.u32 v1, v6  }
0x9f: {  	s10 =	simm.s32 $0x3080;
	s7 =	simm.s32 $0x3;
	v6 =	vor.u32 v2, v6;
	[sflag:s31] =	ssyncadd.s32 $0xFFFFF800  }
0xa0: {  	s11 =	simm.s32 $0x800;
	v10 =	vmov s7;
	v9 =	vld.idx.msk [tilespmem:v5+s10+$0x0], $0xffff  }
0xa1: {  	v3 =	vor.u32 v2, v3;
	v4 =	vld.idx.msk [tilespmem:v4+s11+$0x0], $0xffff  }
0xa2: {  	v8 =	vor.u32 $0x40, v0;
	v0 =	vld.idx.msk [tilespmem:v0+s10+$0x0], $0xffff  }
0xa3: {  	v5 =	vor.u32 $0x40, v5;
	v7 =	vld.idx.msk [tilespmem:v7+s11+$0x0], $0xffff  }
0xa4: {  	v6 =	vld.idx.msk [tilespmem:v6+s11+$0x0], $0xffff  }
0xa5: {  	v11 =	vshll.u32 v10, $0x5;
	v18 =	vor.u32 $0x40, v10;
	v10 =	vld.idx.msk [tilespmem:v10+s10+$0x0], $0xffff  }
0xa6: {  	v12 =	vor.u32 v1, v11;
	v3 =	vld.idx.msk [tilespmem:v3+s11+$0x0], $0xffff;
	v9 =	vadd.f32 v9, v9;
	v13 =	vmul.f32 v4, v4  }
0xa7: {  	v8 =	vld.idx.msk [tilespmem:v8+s10+$0x0], $0xffff  }
0xa8: {  	v5 =	vld.idx.msk [tilespmem:v5+s10+$0x0], $0xffff;
	v0 =	vadd.f32 v0, v0;
	v4 =	vmul.f32 v4, v9;
	v13 =	vmul.f32 $5.120000000e+02, v13  }
0xa9: {  	v14 =	vimm.f32 $3.399999950e+38;
	v15 =	vmul.f32 v7, v7;
	v17 =	vmul.f32 v6, v6  }
0xaa: {  	v16 =	vimm.s32 $0x0;
	v6 =	vmul.f32 v6, v0;
	v0 =	vmul.f32 v7, v0  }
0xab: {  	v12 =	vld.idx.msk [tilespmem:v12+s11+$0x0], $0xffff;
	v24 =	vadd.f32 v10, v10;
	v7 =	vmul.f32 v3, v9;
	v3 =	vmul.f32 v3, v3  }
0xac: {  	s8 =	simm.s32 $0x2;
	v9 =	vmul.f32 $5.120000000e+02, v17;
	v6 =	vsub.f32 v8, v6;
	v15 =	vmul.f32 $5.120000000e+02, v15  }
0xad: {  	v4 =	vsub.f32 v5, v4;
	v0 =	vsub.f32 v8, v0;
	v8 =	vmov s8  }
0xae: {  	v18 =	vld.idx.msk [tilespmem:v18+s10+$0x0], $0xffff;
	v5 =	vsub.f32 v5, v7;
	v7 =	vor.u32 v2, v11;
	v11 =	vshll.u32 v8, $0x5  }
0xaf: {  	v17 =	vor.u32 $0x40, v8;
	v6 =	vadd.f32 v9, v6;
	v4 =	vadd.f32 v13, v4  }
0xb0: {  	v9 =	vadd.f32 v15, v0;
	v0 =	vmul.f32 $5.120000000e+02, v3;
	v3 =	vmul.f32 v12, v12  }
0xb1: {  	v13 =	vor.u32 v1, v11;
	v11 =	vor.u32 v2, v11;
	v12 =	vmul.f32 v12, v24  }
0xb2: {  	vm1 =	vlt.f32 v6, v14;
	vm2 =	vlt.f32 v9, v14;
	v5 =	vadd.f32 v0, v5  }
0xb3: {  	v12 =	vsub.f32 v18, v12;
	vm3 =	vmneg vm1;
	vm0 =	vmneg vm2;
	v20 =	vld.idx.msk [tilespmem:v8+s10+$0x0], $0xffff  }
0xb4: {  	vm1 =	vmand vm1, vm3;
	v15 =	vsel vm3, v14, v6;
	v21 =	vnsel vm3, s13, v16  }
0xb5: {  	v0 =	vsel vm1, s13, v16;
	v6 =	vsel vm1, v6, v14;
	vm1 =	vlt.f32 v5, v15  }
0xb6: {  	v10 =	vsel vm0, v14, v9;
	v6 =	vsel vm3, v6, v14;
	vm1 =	vmneg vm1  }
0xb7: {  	v13 =	vld.idx.msk [tilespmem:v13+s11+$0x0], $0xffff;
	v19 =	vsel vm3, v0, v16;
	vm4 =	vlt.f32 v5, v6;
	v8 =	vsel vm1, v15, v5  }
0xb8: {  	v0 =	vnsel vm1, s12, v21;
	vm3 =	vmand vm4, vm1;
	v20 =	vadd.f32 v20, v20  }
0xb9: {  	s9 =	simm.s32 $0x5;
	v23 =	vld.idx.msk [tilespmem:v7+s11+$0x0], $0xffff;
	v22 =	vsel vm3, v5, v6;
	v5 =	vsel vm3, s12, v19;
	v19 =	vmul.f32 $5.120000000e+02, v3  }
0xba: {  	v6 =	vld.idx.msk [tilespmem:v11+s11+$0x0], $0xffff;
	vm3 =	vmand vm2, vm0;
	v3 =	vnsel vm0, s13, v16;
	v11 =	vmov s9  }
0xbb: {  	vm2 =	vlt.f32 v4, v10;
	v7 =	vor.u32 $0x40, v11;
	v25 =	vshll.u32 v11, $0x5  }
0xbc: {  	v26 =	vsel vm1, v5, v21;
	v5 =	vmul.f32 v13, v13;
	vm2 =	vmneg vm2  }
0xbd: {  	v27 =	vld.idx.msk [tilespmem:v17+s10+$0x0], $0xffff;
	v9 =	vsel vm3, v9, v14;
	v13 =	vmul.f32 v13, v20;
	v21 =	vor.u32 v1, v25  }
0xbe: {  	v25 =	vor.u32 v2, v25;
	v14 =	vsel vm0, v9, v14;
	v62 =	vmul.f32 $5.120000000e+02, v5  }
0xbf: {  	v5 =	vmul.f32 v23, v24;
	vm4 =	vlt.f32 v4, v14;
	v17 =	vmul.f32 v6, v6  }
0xc0: {  	v63 =	vmul.f32 v6, v20;
	v6 =	vadd.f32 v19, v12;
	v12 =	vsel vm3, s13, v16  }
0xc1: {  	v19 =	vmul.f32 v23, v23;
	v20 =	vsel vm1, v22, v15;
	v12 =	vsel vm0, v12, v16  }
0xc2: {  	v24 =	vmul.f32 $5.120000000e+02, v17;
	v17 =	vsub.f32 v18, v5;
	v18 =	vsub.f32 v27, v63  }
0xc3: {  	v16 =	vsub.f32 v27, v13;
	v13 =	vsel vm2, v10, v4;
	vm0 =	vmand vm4, vm2  }
0xc4: {  	v5 =	vnsel vm2, s12, v3;
	v9 =	vld.idx.msk [tilespmem:v21+s11+$0x0], $0xffff;
	v12 =	vsel vm0, s12, v12;
	s12 =	simm.s32 $0x4;
	v21 =	vadd.f32 v24, v18  }
0xc5: {  	v22 =	vmul.f32 $5.120000000e+02, v19;
	v15 =	vadd.f32 v62, v16;
	v24 =	vmov s12  }
0xc6: {  	v19 =	vsel vm0, v4, v14;
	v4 =	vshll.u32 v24, $0x5;
	vm0 =	vlt.f32 v21, v8  }
0xc7: {  	vm3 =	vlt.f32 v15, v13;
	vm1 =	vlt.f32 v21, v20;
	vm4 =	vmneg vm0  }
0xc8: {  	v14 =	vld.idx.msk [tilespmem:v25+s11+$0x0], $0xffff;
	vm3 =	vmneg vm3;
	v25 =	vor.u32 v1, v4;
	vm0 =	vmand vm1, vm4  }
0xc9: {  	s13 =	simm.s32 $0x6;
	v23 =	vor.u32 v2, v4;
	v18 =	vmul.f32 v9, v9;
	v4 =	vmovc v5;
	v16 =	vsel vm0, s8, v26  }
.LBB2_6:
0xca: {  	p0 =	slt.u32 s13, $0x3E;
	v26 =	vsel vm4, v8, v21;
	v20 =	vsel vm0, v21, v20;
	v17 =	vadd.f32 v22, v17;
	s14 =	smov.u32 s13;
	s13 =	sadd.s32 $0x2, s13  }
0xcb: {  	v21 =	vor.u32 $0x40, v24;
	v19 =	vsel vm2, v19, v10;
	v22 =	vld.idx.msk [tilespmem:v11+s10+$0x0], $0xffff;
	v11 =	vsel vm4, v20, v8  }
0xcc: {  	v10 =	vsel vm4, v16, v0;
	v12 =	vsel vm2, v12, v3;
	v20 =	vld.idx.msk [tilespmem:v24+s10+$0x0], $0xffff;
	vm0 =	vlt.f32 v17, v26  }
0xcd: {  	vm1 =	vlt.f32 v15, v19;
	vm2 =	vlt.f32 v17, v11;
	vm0 =	vmneg vm0  }
0xce: {  	v24 =	vnsel vm4, s8, v0;
	v16 =	vld.idx.msk [tilespmem:v25+s11+$0x0], $0xffff;
	vm2 =	vmand vm2, vm0;
	v8 =	vsel vm0, v26, v17  }
0xcf: {  	v0 =	vnsel vm0, s7, v24;
	v23 =	vld.idx.msk [tilespmem:v23+s11+$0x0], $0xffff;
	v25 =	vsel vm2, v17, v11;
	v17 =	vsel vm2, s7, v10  }
0xd0: {  	v18 =	vmul.f32 $5.120000000e+02, v18;
	v3 =	vnsel vm3, s8, v5;
	s15 =	sadd.s32 $0x1, s14;
	vm1 =	vmand vm1, vm3;
	v21 =	vld.idx.msk [tilespmem:v21+s10+$0x0], $0xffff  }
0xd1: {  	v11 =	vmov s15;
	v10 =	vsel vm3, v13, v15;
	v22 =	vadd.f32 v22, v22;
	v5 =	vld.idx.msk [tilespmem:v7+s10+$0x0], $0xffff  }
0xd2: {  	v27 =	vshll.u32 v11, $0x5;
	v28 =	vsel vm0, v17, v24;
	v7 =	vor.u32 $0x40, v11  }
0xd3: {  	vm2 =	vlt.f32 v6, v10;
	v17 =	vor.u32 v1, v27;
	v24 =	vor.u32 v2, v27  }
0xd4: {  	vm2 =	vmneg vm2;
	v9 =	vmul.f32 v9, v22;
	v27 =	vmul.f32 v16, v16  }
0xd5: {  	v15 =	vsel vm1, v15, v19;
	v20 =	vadd.f32 v20, v20;
	v29 =	vmul.f32 v23, v23  }
0xd6: {  	v22 =	vmul.f32 v14, v22;
	v19 =	vmul.f32 $5.120000000e+02, v27;
	v27 =	vsel vm3, v15, v13  }
0xd7: {  	v15 =	vmul.f32 $5.120000000e+02, v29;
	v13 =	vsub.f32 v5, v9;
	vm4 =	vlt.f32 v6, v27  }
0xd8: {  	v23 =	vmul.f32 v23, v20;
	v9 =	vld.idx.msk [tilespmem:v17+s11+$0x0], $0xffff;
	v17 =	vsub.f32 v5, v22;
	v5 =	vnsel vm2, s7, v3  }
0xd9: {  	v12 =	vsel vm1, s8, v12;
	s8 =	smov.u32 s12;
	s12 =	smov.u32 s14;
	v16 =	vmul.f32 v16, v20;
	v18 =	vadd.f32 v18, v13;
	v29 =	vld.idx.msk [tilespmem:v24+s11+$0x0], $0xffff  }
0xda: {  	v12 =	vsel vm3, v12, v4;
	v14 =	vmul.f32 v14, v14;
	v22 =	vsub.f32 v21, v23;
	v4 =	vmovc v5  }
0xdb: {  	v20 =	vsel vm0, v25, v26;
	v16 =	vsub.f32 v21, v16;
	v13 =	vsel vm2, v10, v6  }
0xdc: {  	vm0 =	vmand vm4, vm2;
	v21 =	vadd.f32 v15, v22;
	v22 =	vmul.f32 $5.120000000e+02, v14  }
.Ltmp3:
0xdd: {  	v12 =	vsel vm0, s7, v12;
	s7 =	smov.u32 s9;
	s9 =	smov.u32 s15;
	v15 =	vadd.f32 v19, v16;
	v19 =	vsel vm0, v6, v27;
	v6 =	vmovc v18;
	(pc) =	sbr.rel @p0 .LBB2_6-.Ltmp3, $4  }
0xde: {  	vm0 =	vlt.f32 v21, v8;
	vm1 =	vlt.f32 v21, v20;
	v18 =	vmul.f32 v9, v9  }
0xdf: {  	v24 =	vmov s12;
	vm3 =	vlt.f32 v15, v13;
	vm4 =	vmneg vm0;
	v14 =	vmovc v29  }
0xe0: {  	v16 =	vshll.u32 v24, $0x5;
	vm3 =	vmneg vm3;
	vm0 =	vmand vm1, vm4  }
0xe1: {  	v25 =	vor.u32 v1, v16;
	v23 =	vor.u32 v2, v16;
	v16 =	vsel vm0, s8, v28  }
0xe2: {  	_ =	sdelay $0x1  }
0xe3: {  	v1 =	vadd.f32 v22, v17  }
0xe4: {  	v43 =	vsel vm4, v8, v21;
	v44 =	vsel vm0, v21, v20;
	v45 =	vor.u32 $0x40, v24  }
0xe5: {  	v2 =	vld.idx.msk [tilespmem:v11+s10+$0x0], $0xffff;
	v10 =	vsel vm2, v19, v10;
	v52 =	vmul.f32 $5.120000000e+02, v18;
	v54 =	vimm.s32 $0x0  }
0xe6: {  	v46 =	vld.idx.msk [tilespmem:v24+s10+$0x0], $0xffff;
	v55 =	vsel vm3, v13, v15;
	v59 =	vmul.f32 v14, v14;
	v47 =	vsel vm4, v44, v8  }
0xe7: {  	v49 =	vld.idx.msk [tilespmem:v23+s11+$0x0], $0xffff;
	vm1 =	vlt.f32 v15, v10;
	vm13 =	vlt.f32 v6, v55;
	vm10 =	vlt.f32 v1, v43  }
0xe8: {  	v48 =	vld.idx.msk [tilespmem:v25+s11+$0x0], $0xffff;
	vm11 =	vlt.f32 v1, v47;
	vm12 =	vmand vm1, vm3;
	vm8 =	vmneg vm13  }
0xe9: {  	v7 =	vld.idx.msk [tilespmem:v7+s10+$0x0], $0xffff;
	v61 =	vmul.f32 $5.120000000e+02, v59;
	vm5 =	vmneg vm10;
	v20 =	vsel vm12, $0xFFFFFFFF, v54  }
0xea: {  	v10 =	vsel vm12, v15, v10;
	v60 =	vsel vm8, v55, v6;
	v2 =	vadd.f32 v2, v2;
	v53 =	vld.idx.msk [tilespmem:v45+s10+$0x0], $0xffff  }
0xeb: {  	vm0 =	vmand vm11, vm5;
	v51 =	vsel vm5, v43, v1;
	v21 =	vadd.f32 v46, v46  }
0xec: {  	v10 =	vsel vm3, v10, v13;
	v19 =	vmul.f32 v49, v49;
	v9 =	vmul.f32 v9, v2  }
0xed: {  	v1 =	vsel vm0, v1, v47;
	v57 =	vmul.f32 v49, v21;
	v2 =	vmul.f32 v14, v2  }
0xee: {  	v56 =	vmul.f32 v48, v48;
	v17 =	vmul.f32 v48, v21;
	v9 =	vsub.f32 v7, v9  }
0xef: {  	v19 =	vmul.f32 $5.120000000e+02, v19;
	v2 =	vsub.f32 v7, v2;
	v7 =	vsub.f32 v53, v57  }
0xf0: {  	vm14 =	vlt.f32 v6, v10;
	v15 =	vmul.f32 $5.120000000e+02, v56;
	v58 =	vsub.f32 v53, v17  }
0xf1: {  	v1 =	vsel vm5, v1, v43;
	vm11 =	vmand vm14, vm8;
	v7 =	vadd.f32 v19, v7  }
0xf2: {  	v6 =	vsel vm11, v6, v10;
	v8 =	vadd.f32 v52, v9;
	v9 =	vadd.f32 v15, v58  }
0xf3: {  	v6 =	vsel vm8, v6, v55;
	v2 =	vadd.f32 v61, v2;
	vm15 =	vlt.f32 v7, v51  }
0xf4: {  	vm6 =	vlt.f32 v7, v1;
	vm10 =	vlt.f32 v9, v60;
	vm9 =	vmneg vm15  }
0xf5: {  	vm7 =	vlt.f32 v9, v6;
	vm10 =	vmneg vm10;
	vm14 =	vmand vm6, vm9  }
0xf6: {  	vm15 =	vmand vm7, vm10;
	v1 =	vsel vm14, v7, v1;
	v7 =	vsel vm9, v51, v7  }
0xf7: {  	v62 =	vsel vm10, v60, v9;
	v1 =	vsel vm9, v1, v51;
	vm12 =	vlt.f32 v2, v7  }
0xf8: {  	v6 =	vsel vm15, v9, v6;
	vm12 =	vmneg vm12;
	vm6 =	vlt.f32 v2, v1  }
0xf9: {  	vm13 =	vlt.f32 v8, v62;
	v6 =	vsel vm10, v6, v60;
	vm1 =	vmand vm6, vm12  }
0xfa: {  	vm13 =	vmneg vm13;
	vm7 =	vlt.f32 v8, v6;
	v1 =	vsel vm1, v2, v1  }
0xfb: {  	vm7 =	vmand vm7, vm13;
	v63 =	vsel vm12, v7, v2;
	v1 =	vsel vm12, v1, v7  }
0xfc: {  	v2 =	vsel vm7, v8, v6;
	v1 =	vsub.f32 v1, v63  }
0xfd: {  	v6 =	vsel vm13, v62, v8;
	v2 =	vsel vm13, v2, v62  }
0xfe: {  	v2 =	vsub.f32 v2, v6;
	vm6 =	vlt.f32 v1, $2.000000090e-03;
	v1 =	vimm.s32 $0x0  }
0xff: {  	v50 =	vimm.s32 $0x0;
	v1 =	vsel vm6, $0xFFFFFFFF, v1  }
0x100: {  	v22 =	vsel vm0, $0xFFFFFFFF, v50;
	vm0 =	vlt.f32 v2, $2.000000090e-03;
	[tilespmem:$0x1FFC0] =	vst v1;
	v1 =	vimm.s32 $0x0  }
0x101: {  	v2 =	vimm.f32 $0.0e+00;
	vm6 =	vmor vm0, vm6;
	v1 =	vsel vm0, $0xFFFFFFFF, v1  }
0x102: {  	[tilespmem:$0x1FFD0] =	vst v1;
	v1 =	vsel vm6, $0x3F800000, v2  }
0x103: {  	(xrf0) =	vmax.scan.msk.f32 $0xffff, v1;
	_ =	sdelay $0x5  }
0x104: {  	v1, _, _ =	vpop (xrf0)  }
0x105: {  	(v2sf) =	vpush v1, $0xF;
	_ =	sdelay $0x3  }
0x106: {  	[tilespmem:$0x1FFE0] =	vst v20  }
0x107: {  	v6 =	vld [tilespmem:$0x1FFE0];
	_ =	sdelay $0x3  }
0x108: {  	[tilespmem:$0x1FFF0] =	vst v22;
	v1 =	vsel vm2, v12, v3  }
0x109: {  	v3 =	vsel vm4, v16, v0;
	v0 =	vnsel vm4, s8, v0;
	vm4 =	vnez.u8 v6;
	v6 =	vld [tilespmem:$0x1FFF0];
	_ =	sdelay $0x2  }
0x10a: {  	v1 =	vsel vm4, s8, v1  }
0x10b: {  	v1 =	vsel vm3, v1, v4  }
0x10c: {  	v5 =	vnsel vm3, s8, v5;
	v1 =	vsel vm11, s7, v1;
	vm6 =	vnez.u8 v6;
	s31 =	spop (v2sf)  }
0x10d: {  	v4 =	vnsel vm5, s7, v0;
	v1 =	vsel vm8, v1, v5;
	v3 =	vsel vm6, s7, v3;
	p0 =	sgt.f32 s31, $0.0e+00  }
.Ltmp4:
0x10e: {  	v1 =	vsel vm15, s12, v1;
	v0 =	vsel vm5, v3, v0;
	v3 =	vnsel vm8, s7, v5;
	(pc) =	sbr.rel @!p0 .LBB2_17-.Ltmp4, $4  }
0x10f: {  	v0 =	vsel vm14, s12, v0;
	v5 =	vnsel vm10, s12, v3;
	v3 =	vsel vm10, v1, v3  }
0x110: {  	v0 =	vsel vm9, v0, v4;
	v4 =	vnsel vm9, s12, v4;
	v1 =	vnsel vm13, s9, v5  }
0x111: {  	v7 =	vsel vm7, s9, v3;
	v6 =	vsel vm1, s9, v0;
	v0 =	vnsel vm12, s9, v4;
	[tilespmem:$0x3A00] =	vst v1  }
0x112: {  	v3 =	vsel vm12, v6, v4;
	v4 =	vsel vm13, v7, v5;
	[tilespmem:$0x3A10] =	vst v0  }
0x113: {  	s8 =	simm.s32 $0x0;
	v5 =	vshll.u32 v1, $0x5  }
0x114: {  	v6 =	vlaneseq.u32;
	v7 =	vshll.u32 v4, $0x5;
	v8 =	vmov s8  }
0x115: {  	s23 =	simm.s32 $0x2;
	s24 =	simm.s32 $0x1;
	v5 =	vor.u32 v6, v5;
	v6 =	vor.u32 v6, v7;
	v8 =	vand.u32 $0xFC, v8  }
0x116: {  	s7 =	simm.s32 $0x3A20;
	s25 =	simm.s32 $0x4;
	v9 =	vmov s23;
	v11 =	vmov s24;
	v10 =	vbroadcast v8, $0x0  }
0x117: {  	[tilespmem:s7], [sflag:$0x4] =	stream.linear.gather [hbm4b:s6+s8], $0x8000, $0x38;
	v7 =	vshll.u32 v1, $0x9;
	v9 =	vand.u32 $0xFE, v9;
	v11 =	vand.u32 $0xFD, v11;
	[tilespmem:$0xBB20] =	vst v63  }
0x118: {  	_ =	swait.ge [sflag:s25], $0x8000;
	v8 =	vshll.u32 v4, $0x9;
	v9 =	vbroadcast v9, $0x0;
	v12 =	vor.u32 v7, v10  }
0x119: {  	s26 =	simm.s32 $0x3;
	[sflag:s25] =	ssyncset.done $0x0;
	v11 =	vbroadcast v11, $0x0;
	v10 =	vor.u32 v8, v10  }
0x11a: {  	s28 =	simm.s32 $0x800;
	v13 =	vmov s26;
	[sflag:s25] =	ssyncadd.s32 $0xFFFF8000;
	v14 =	vor.u32 v7, v9  }
0x11b: {  	v13 =	vand.u32 $0xFF, v13;
	v15 =	vor.u32 v7, v11;
	v5 =	vld.idx.msk [tilespmem:v5+s28+$0x0], $0xffff  }
0x11c: {  	v13 =	vbroadcast v13, $0x0;
	v11 =	vor.u32 v8, v11;
	v6 =	vld.idx.msk [tilespmem:v6+s28+$0x0], $0xffff  }
0x11d: {  	s29 =	simm.s32 $0x4;
	v9 =	vor.u32 v8, v9;
	v17 =	vld.idx.msk [tilespmem:v12+s7+$0x0], $0xffff  }
0x11e: {  	s30 =	simm.s32 $0x7;
	s31 =	simm.s32 $0x6;
	v19 =	vor.u32 v7, v13;
	v25 =	vor.u32 v8, v13;
	v24 =	vld.idx.msk [tilespmem:v10+s7+$0x0], $0xffff;
	v12 =	vmov s29  }
0x11f: {  	s9 =	simm.s32 $0x5;
	v13 =	vmov s30;
	v10 =	vld.idx.msk [tilespmem:v14+s7+$0x0], $0xffff;
	v14 =	vmov s31;
	v12 =	vand.u32 $0xFC, v12  }
0x120: {  	v16 =	vld.idx.msk [tilespmem:v15+s7+$0x0], $0xffff;
	v15 =	vmov s9;
	v22 =	vbroadcast v12, $0x0;
	v12 =	vand.u32 $0xFE, v14  }
0x121: {  	v20 =	vld.idx.msk [tilespmem:v11+s7+$0x0], $0xffff;
	v11 =	vand.u32 $0xFF, v13;
	v15 =	vand.u32 $0xFD, v15;
	v12 =	vbroadcast v12, $0x0  }
0x122: {  	v21 =	vld.idx.msk [tilespmem:v9+s7+$0x0], $0xffff;
	v9 =	vbroadcast v11, $0x0;
	v18 =	vor.u32 v7, v22;
	v13 =	vor.u32 v8, v22  }
0x123: {  	v14 =	vld.idx.msk [tilespmem:v19+s7+$0x0], $0xffff;
	v22 =	vbroadcast v15, $0x0;
	v15 =	vimm.f32 $0.0e+00;
	v11 =	vor.u32 v7, v12  }
0x124: {  	s6 =	simm.s32 $0x8;
	v19 =	vld.idx.msk [tilespmem:v25+s7+$0x0], $0xffff;
	v23 =	vsub.f32 v17, v5;
	v24 =	vsub.f32 v24, v6;
	v17 =	vimm.f32 $0.0e+00  }
.LBB2_9:
0x125: {  	p0 =	slt.u32 s6, $0xFC;
	v25 =	vor.u32 v7, v22;
	v22 =	vor.u32 v8, v22;
	v16 =	vsub.f32 v16, v5  }
0x126: {  	v20 =	vsub.f32 v20, v6;
	v23 =	vmul.f32 v23, v23;
	v24 =	vmul.f32 v24, v24  }
0x127: {  	v10 =	vsub.f32 v10, v5;
	v21 =	vsub.f32 v21, v6;
	v16 =	vmul.f32 v16, v16  }
0x128: {  	v20 =	vmul.f32 v20, v20;
	v17 =	vadd.f32 v23, v17;
	v15 =	vadd.f32 v24, v15  }
0x129: {  	v10 =	vmul.f32 v10, v10;
	v14 =	vsub.f32 v14, v5;
	v19 =	vsub.f32 v19, v6  }
0x12a: {  	v16 =	vadd.f32 v16, v17;
	v15 =	vadd.f32 v20, v15;
	v17 =	vmul.f32 v21, v21  }
0x12b: {  	v12 =	vor.u32 v8, v12;
	v14 =	vmul.f32 v14, v14;
	v23 =	vld.idx.msk [tilespmem:v18+s7+$0x0], $0xffff;
	v18 =	vor.u32 v7, v9  }
0x12c: {  	v19 =	vmul.f32 v19, v19;
	v24 =	vld.idx.msk [tilespmem:v13+s7+$0x0], $0xffff;
	v13 =	vadd.f32 v10, v16;
	v15 =	vadd.f32 v17, v15  }
0x12d: {  	s8 =	sadd.s32 $0x3, s6;
	v20 =	vmov s6;
	v10 =	vld.idx.msk [tilespmem:v11+s7+$0x0], $0xffff;
	v11 =	vor.u32 v8, v9  }
0x12e: {  	s9 =	sadd.s32 $0x1, s6;
	s10 =	sadd.s32 $0x2, s6;
	v9 =	vmov s8;
	v16 =	vld.idx.msk [tilespmem:v25+s7+$0x0], $0xffff;
	v17 =	vadd.f32 v14, v13;
	v15 =	vadd.f32 v19, v15  }
.Ltmp5:
0x12f: {  	v13 =	vand.u32 $0xFC, v20;
	v14 =	vmov s9;
	v19 =	vmov s10;
	v20 =	vld.idx.msk [tilespmem:v22+s7+$0x0], $0xffff;
	(pc) =	sbr.rel @p0 .LBB2_9-.Ltmp5, $4  }
0x130: {  	v9 =	vand.u32 $0xFF, v9;
	v13 =	vbroadcast v13, $0x0;
	v19 =	vand.u32 $0xFE, v19;
	v21 =	vld.idx.msk [tilespmem:v12+s7+$0x0], $0xffff  }
0x131: {  	v22 =	vand.u32 $0xFD, v14;
	v9 =	vbroadcast v9, $0x0;
	v12 =	vbroadcast v19, $0x0;
	v14 =	vld.idx.msk [tilespmem:v18+s7+$0x0], $0xffff  }
0x132: {  	v22 =	vbroadcast v22, $0x0;
	v18 =	vor.u32 v7, v13;
	v13 =	vor.u32 v8, v13;
	v19 =	vld.idx.msk [tilespmem:v11+s7+$0x0], $0xffff  }
0x133: {  	s6 =	sadd.s32 $0x4, s6;
	v23 =	vsub.f32 v23, v5;
	v24 =	vsub.f32 v24, v6;
	v11 =	vor.u32 v7, v12  }
0x134: {  	_ =	sdelay $0x1  }
0x135: {  	v25 =	vor.u32 v7, v22;
	v22 =	vor.u32 v8, v22;
	v16 =	vsub.f32 v16, v5  }
0x136: {  	v20 =	vsub.f32 v20, v6;
	v10 =	vsub.f32 v10, v5;
	v23 =	vmul.f32 v23, v23  }
0x137: {  	v18 =	vld.idx.msk [tilespmem:v18+s7+$0x0], $0xffff;
	v12 =	vor.u32 v8, v12;
	v24 =	vmul.f32 v24, v24;
	v21 =	vsub.f32 v21, v6  }
0x138: {  	v13 =	vld.idx.msk [tilespmem:v13+s7+$0x0], $0xffff;
	v16 =	vmul.f32 v16, v16;
	v20 =	vmul.f32 v20, v20;
	v17 =	vadd.f32 v23, v17  }
0x139: {  	v11 =	vld.idx.msk [tilespmem:v11+s7+$0x0], $0xffff;
	v10 =	vmul.f32 v10, v10;
	v23 =	vor.u32 v7, v9;
	v15 =	vadd.f32 v24, v15  }
0x13a: {  	v14 =	vsub.f32 v14, v5;
	v9 =	vor.u32 v8, v9;
	v16 =	vadd.f32 v16, v17;
	v17 =	vld.idx.msk [tilespmem:v25+s7+$0x0], $0xffff  }
0x13b: {  	v19 =	vsub.f32 v19, v6;
	v15 =	vadd.f32 v20, v15;
	v20 =	vmul.f32 v21, v21;
	v21 =	vld.idx.msk [tilespmem:v22+s7+$0x0], $0xffff  }
0x13c: {  	v14 =	vmul.f32 v14, v14;
	v12 =	vld.idx.msk [tilespmem:v12+s7+$0x0], $0xffff;
	v18 =	vsub.f32 v18, v5  }
0x13d: {  	v10 =	vadd.f32 v10, v16;
	v15 =	vadd.f32 v20, v15;
	v16 =	vmul.f32 v19, v19  }
0x13e: {  	v13 =	vsub.f32 v13, v6;
	v11 =	vsub.f32 v11, v5;
	v19 =	vld.idx.msk [tilespmem:v23+s7+$0x0], $0xffff  }
0x13f: {  	v9 =	vld.idx.msk [tilespmem:v9+s7+$0x0], $0xffff;
	v10 =	vadd.f32 v14, v10;
	v14 =	vadd.f32 v16, v15;
	v16 =	vmul.f32 v18, v18  }
0x140: {  	v13 =	vmul.f32 v13, v13;
	v15 =	vsub.f32 v17, v5;
	v17 =	vsub.f32 v21, v6  }
0x141: {  	v11 =	vmul.f32 v11, v11;
	v12 =	vsub.f32 v12, v6;
	v10 =	vadd.f32 v16, v10  }
0x142: {  	s6 =	simm.s32 $0x100;
	v13 =	vadd.f32 v13, v14;
	v15 =	vmul.f32 v15, v15;
	v14 =	vmul.f32 v17, v17  }
0x143: {  	v17 =	vmov s6;
	v12 =	vmul.f32 v12, v12;
	v16 =	vsub.f32 v19, v5  }
0x144: {  	s26 =	simm.s32 $0x102;
	v9 =	vsub.f32 v9, v6;
	v13 =	vadd.f32 v14, v13;
	v14 =	vand.u32 $0x1FC, v17  }
0x145: {  	s28 =	simm.s32 $0x101;
	v10 =	vadd.f32 v15, v10;
	v15 =	vmov s26;
	v14 =	vbroadcast v14, $0x0  }
0x146: {  	v17 =	vmov s28;
	v16 =	vmul.f32 v16, v16;
	v15 =	vand.u32 $0x1FE, v15  }
0x147: {  	v17 =	vand.u32 $0x1FD, v17;
	v15 =	vbroadcast v15, $0x0;
	v18 =	vor.u32 v7, v14  }
0x148: {  	s29 =	simm.s32 $0x103;
	v10 =	vadd.f32 v11, v10;
	v12 =	vadd.f32 v12, v13;
	v11 =	vor.u32 v8, v14  }
0x149: {  	v13 =	vmov s29;
	v14 =	vbroadcast v17, $0x0;
	v17 =	vor.u32 v7, v15  }
0x14a: {  	v19 =	vmul.f32 v9, v9;
	v9 =	vand.u32 $0x1FF, v13;
	v15 =	vor.u32 v8, v15  }
0x14b: {  	s6 =	simm.s32 $0x3A20;
	v20 =	vbroadcast v9, $0x0;
	v13 =	vor.u32 v7, v14  }
0x14c: {  	v9 =	vadd.f32 v16, v10;
	v10 =	vadd.f32 v19, v12;
	v14 =	vor.u32 v8, v14;
	v19 =	vld.idx.msk [tilespmem:v18+s6+$0x0], $0xffff  }
0x14d: {  	v21 =	vor.u32 v7, v20;
	v26 =	vld.idx.msk [tilespmem:v11+s6+$0x0], $0xffff  }
0x14e: {  	s30 =	simm.s32 $0x104;
	v20 =	vor.u32 v8, v20;
	v12 =	vld.idx.msk [tilespmem:v17+s6+$0x0], $0xffff  }
0x14f: {  	s31 =	simm.s32 $0x107;
	s8 =	simm.s32 $0x106;
	v11 =	vmov s30;
	v23 =	vld.idx.msk [tilespmem:v15+s6+$0x0], $0xffff  }
0x150: {  	s9 =	simm.s32 $0x105;
	v16 =	vmov s31;
	v11 =	vand.u32 $0x1FC, v11;
	v17 =	vmov s8;
	v18 =	vld.idx.msk [tilespmem:v13+s6+$0x0], $0xffff  }
0x151: {  	v13 =	vmov s9;
	v24 =	vbroadcast v11, $0x0;
	v11 =	vand.u32 $0x1FE, v17;
	v22 =	vld.idx.msk [tilespmem:v14+s6+$0x0], $0xffff  }
0x152: {  	v16 =	vand.u32 $0x1FF, v16;
	v13 =	vand.u32 $0x1FD, v13;
	v14 =	vbroadcast v11, $0x0;
	v17 =	vld.idx.msk [tilespmem:v21+s6+$0x0], $0xffff  }
0x153: {  	v11 =	vbroadcast v16, $0x0;
	v21 =	vld.idx.msk [tilespmem:v20+s6+$0x0], $0xffff;
	v20 =	vimm.f32 $0.0e+00;
	v16 =	vor.u32 v7, v24  }
0x154: {  	v15 =	vor.u32 v8, v24;
	v24 =	vbroadcast v13, $0x0;
	v13 =	vor.u32 v7, v14  }
0x155: {  	s7 =	simm.s32 $0x108;
	v25 =	vsub.f32 v19, v5;
	v26 =	vsub.f32 v26, v6;
	v19 =	vimm.f32 $0.0e+00  }
.LBB2_11:
0x156: {  	p0 =	slt.u32 s7, $0x1FC;
	v27 =	vor.u32 v7, v24;
	v24 =	vor.u32 v8, v24;
	v18 =	vsub.f32 v18, v5  }
0x157: {  	v22 =	vsub.f32 v22, v6;
	v25 =	vmul.f32 v25, v25;
	v26 =	vmul.f32 v26, v26  }
0x158: {  	v12 =	vsub.f32 v12, v5;
	v23 =	vsub.f32 v23, v6;
	v18 =	vmul.f32 v18, v18  }
0x159: {  	v22 =	vmul.f32 v22, v22;
	v19 =	vadd.f32 v25, v19;
	v20 =	vadd.f32 v26, v20  }
0x15a: {  	v12 =	vmul.f32 v12, v12;
	v17 =	vsub.f32 v17, v5;
	v21 =	vsub.f32 v21, v6  }
0x15b: {  	v18 =	vadd.f32 v18, v19;
	v19 =	vadd.f32 v22, v20;
	v20 =	vmul.f32 v23, v23  }
0x15c: {  	v14 =	vor.u32 v8, v14;
	v17 =	vmul.f32 v17, v17;
	v25 =	vld.idx.msk [tilespmem:v16+s6+$0x0], $0xffff;
	v16 =	vor.u32 v7, v11  }
0x15d: {  	v21 =	vmul.f32 v21, v21;
	v26 =	vld.idx.msk [tilespmem:v15+s6+$0x0], $0xffff;
	v15 =	vadd.f32 v12, v18;
	v20 =	vadd.f32 v20, v19  }
0x15e: {  	s8 =	sadd.s32 $0x3, s7;
	v22 =	vmov s7;
	v12 =	vld.idx.msk [tilespmem:v13+s6+$0x0], $0xffff;
	v13 =	vor.u32 v8, v11  }
0x15f: {  	s9 =	sadd.s32 $0x1, s7;
	s10 =	sadd.s32 $0x2, s7;
	v11 =	vmov s8;
	v18 =	vld.idx.msk [tilespmem:v27+s6+$0x0], $0xffff;
	v19 =	vadd.f32 v17, v15;
	v20 =	vadd.f32 v21, v20  }
.Ltmp6:
0x160: {  	v15 =	vand.u32 $0x1FC, v22;
	v17 =	vmov s9;
	v21 =	vmov s10;
	v22 =	vld.idx.msk [tilespmem:v24+s6+$0x0], $0xffff;
	(pc) =	sbr.rel @p0 .LBB2_11-.Ltmp6, $4  }
0x161: {  	v11 =	vand.u32 $0x1FF, v11;
	v15 =	vbroadcast v15, $0x0;
	v21 =	vand.u32 $0x1FE, v21;
	v23 =	vld.idx.msk [tilespmem:v14+s6+$0x0], $0xffff  }
0x162: {  	v24 =	vand.u32 $0x1FD, v17;
	v11 =	vbroadcast v11, $0x0;
	v14 =	vbroadcast v21, $0x0;
	v17 =	vld.idx.msk [tilespmem:v16+s6+$0x0], $0xffff  }
0x163: {  	v24 =	vbroadcast v24, $0x0;
	v16 =	vor.u32 v7, v15;
	v15 =	vor.u32 v8, v15;
	v21 =	vld.idx.msk [tilespmem:v13+s6+$0x0], $0xffff  }
0x164: {  	s7 =	sadd.s32 $0x4, s7;
	v25 =	vsub.f32 v25, v5;
	v26 =	vsub.f32 v26, v6;
	v13 =	vor.u32 v7, v14  }
0x165: {  	_ = 	snop  }
0x166: {  	v27 =	vor.u32 v7, v24;
	v24 =	vor.u32 v8, v24  }
0x167: {  	v18 =	vsub.f32 v18, v5;
	v22 =	vsub.f32 v22, v6;
	v25 =	vmul.f32 v25, v25  }
0x168: {  	v12 =	vsub.f32 v12, v5;
	v14 =	vor.u32 v8, v14;
	v26 =	vmul.f32 v26, v26  }
0x169: {  	v16 =	vld.idx.msk [tilespmem:v16+s6+$0x0], $0xffff;
	v7 =	vor.u32 v7, v11;
	v18 =	vmul.f32 v18, v18;
	v19 =	vadd.f32 v25, v19  }
0x16a: {  	v15 =	vld.idx.msk [tilespmem:v15+s6+$0x0], $0xffff;
	v8 =	vor.u32 v8, v11;
	v22 =	vmul.f32 v22, v22;
	v20 =	vadd.f32 v26, v20  }
0x16b: {  	v13 =	vld.idx.msk [tilespmem:v13+s6+$0x0], $0xffff;
	v23 =	vsub.f32 v23, v6;
	v12 =	vmul.f32 v12, v12;
	v18 =	vadd.f32 v18, v19  }
0x16c: {  	v17 =	vsub.f32 v17, v5;
	v19 =	vadd.f32 v22, v20;
	v20 =	vld.idx.msk [tilespmem:v27+s6+$0x0], $0xffff  }
0x16d: {  	v11 =	vsub.f32 v21, v6;
	v21 =	vmul.f32 v23, v23;
	v12 =	vadd.f32 v12, v18;
	v18 =	vld.idx.msk [tilespmem:v24+s6+$0x0], $0xffff  }
0x16e: {  	v17 =	vmul.f32 v17, v17;
	v14 =	vld.idx.msk [tilespmem:v14+s6+$0x0], $0xffff  }
0x16f: {  	v11 =	vmul.f32 v11, v11;
	v7 =	vld.idx.msk [tilespmem:v7+s6+$0x0], $0xffff;
	v16 =	vsub.f32 v16, v5;
	v19 =	vadd.f32 v21, v19  }
0x170: {  	v8 =	vld.idx.msk [tilespmem:v8+s6+$0x0], $0xffff;
	v15 =	vsub.f32 v15, v6;
	v13 =	vsub.f32 v13, v5  }
0x171: {  	v16 =	vmul.f32 v16, v16;
	v12 =	vadd.f32 v17, v12;
	v11 =	vadd.f32 v11, v19  }
0x172: {  	v15 =	vmul.f32 v15, v15;
	v17 =	vsub.f32 v20, v5;
	v18 =	vsub.f32 v18, v6  }
0x173: {  	v14 =	vsub.f32 v14, v6;
	v12 =	vadd.f32 v16, v12  }
0x174: {  	v11 =	vadd.f32 v15, v11;
	v17 =	vmul.f32 v17, v17;
	v15 =	vmul.f32 v18, v18  }
0x175: {  	v13 =	vmul.f32 v13, v13;
	v5 =	vsub.f32 v7, v5;
	v6 =	vsub.f32 v8, v6  }
0x176: {  	v7 =	vadd.f32 v17, v12;
	v8 =	vadd.f32 v15, v11;
	v11 =	vmul.f32 v14, v14  }
0x177: {  	v5 =	vmul.f32 v5, v5  }
0x178: {  	v6 =	vmul.f32 v6, v6;
	v7 =	vadd.f32 v13, v7;
	v8 =	vadd.f32 v11, v8;
	_ =	sdelay $0x1  }
0x179: {  	v5 =	vadd.f32 v5, v7;
	v6 =	vadd.f32 v6, v8;
	_ =	sdelay $0x1  }
0x17a: {  	v5 =	vadd.f32 v5, v9;
	v6 =	vadd.f32 v6, v10;
	_ =	sdelay $0x1  }
0x17b: {  	vm0 =	veq.f32 v6, v5;
	vm2 =	vlt.f32 v6, v5;
	v5 =	vld [tilespmem:$0x1FFD0]  }
0x17c: {  	s7 =	simm.s32 $0x1  }
0x17d: {  	vm1 =	vlt.s32 v4, v1;
	v11 =	vmov s7  }
0x17e: {  	s25 =	simm.s32 $0x0;
	v7 =	vshll.u32 v3, $0x5;
	v11 =	vand.u32 $0xFD, v11;
	v6 =	vlaneseq.u32  }
0x17f: {  	v8 =	vmov s25;
	vm0 =	vmand vm1, vm0;
	v6 =	vor.u32 $0x10, v6  }
0x180: {  	vm0 =	vmor vm2, vm0;
	vm15 =	vnez.u8 v5;
	v5 =	vshll.u32 v0, $0x5  }
0x181: {  	s26 =	simm.s32 $0x2;
	v9 =	vor.u32 v6, v7;
	v5 =	vor.u32 v6, v5;
	v6 =	vand.u32 $0xFC, v8  }
0x182: {  	v7 =	vshll.u32 v0, $0x9;
	v8 =	vmov s26;
	v10 =	vbroadcast v6, $0x0  }
0x183: {  	vm0 =	vmand vm15, vm0;
	v6 =	vshll.u32 v3, $0x9;
	v8 =	vand.u32 $0xFE, v8  }
0x184: {  	s28 =	simm.s32 $0x3;
	v1 =	vsel vm0, v4, v1;
	v12 =	vbroadcast v8, $0x0;
	v13 =	vor.u32 v7, v10  }
0x185: {  	s29 =	simm.s32 $0x800;
	v8 =	vbroadcast v11, $0x0;
	[tilespmem:$0x3A00] =	vst v1;
	v11 =	vmov s28;
	v10 =	vor.u32 v6, v10  }
0x186: {  	v11 =	vand.u32 $0xFF, v11;
	v14 =	vor.u32 v7, v12;
	v4 =	vld.idx.msk [tilespmem:v5+s29+$0x0], $0xffff  }
0x187: {  	v15 =	vor.u32 v7, v8;
	v5 =	vld.idx.msk [tilespmem:v9+s29+$0x0], $0xffff;
	v9 =	vbroadcast v11, $0x0  }
0x188: {  	s6 =	simm.s32 $0x3A20;
	v11 =	vor.u32 v6, v8  }
0x189: {  	v18 =	vor.u32 v7, v9;
	v17 =	vld.idx.msk [tilespmem:v13+s6+$0x0], $0xffff  }
0x18a: {  	s30 =	simm.s32 $0x4;
	v13 =	vor.u32 v6, v12;
	v24 =	vld.idx.msk [tilespmem:v10+s6+$0x0], $0xffff  }
0x18b: {  	s31 =	simm.s32 $0x7;
	s8 =	simm.s32 $0x6;
	v8 =	vimm.f32 $0.0e+00;
	v20 =	vor.u32 v6, v9;
	v12 =	vmov s30;
	v10 =	vld.idx.msk [tilespmem:v14+s6+$0x0], $0xffff  }
0x18c: {  	s9 =	simm.s32 $0x5;
	v9 =	vmov s31;
	v12 =	vand.u32 $0xFC, v12;
	v14 =	vmov s8;
	v16 =	vld.idx.msk [tilespmem:v15+s6+$0x0], $0xffff  }
0x18d: {  	v15 =	vmov s9;
	v22 =	vbroadcast v12, $0x0;
	v12 =	vand.u32 $0xFE, v14;
	v19 =	vld.idx.msk [tilespmem:v11+s6+$0x0], $0xffff  }
0x18e: {  	v9 =	vand.u32 $0xFF, v9;
	v11 =	vand.u32 $0xFD, v15;
	v12 =	vbroadcast v12, $0x0;
	v15 =	vld.idx.msk [tilespmem:v18+s6+$0x0], $0xffff  }
0x18f: {  	v9 =	vbroadcast v9, $0x0;
	v14 =	vor.u32 v7, v22;
	v18 =	vimm.f32 $0.0e+00;
	v21 =	vld.idx.msk [tilespmem:v13+s6+$0x0], $0xffff  }
0x190: {  	v13 =	vor.u32 v6, v22;
	v22 =	vbroadcast v11, $0x0;
	v11 =	vor.u32 v7, v12  }
0x191: {  	s7 =	simm.s32 $0x8;
	v20 =	vld.idx.msk [tilespmem:v20+s6+$0x0], $0xffff;
	v23 =	vsub.f32 v17, v4;
	v24 =	vsub.f32 v24, v5;
	v17 =	vimm.f32 $0.0e+00  }
.LBB2_13:
0x192: {  	p0 =	slt.u32 s7, $0xFC;
	v25 =	vor.u32 v7, v22;
	v22 =	vor.u32 v6, v22;
	v16 =	vsub.f32 v16, v4  }
0x193: {  	v19 =	vsub.f32 v19, v5;
	v23 =	vmul.f32 v23, v23;
	v24 =	vmul.f32 v24, v24  }
0x194: {  	v10 =	vsub.f32 v10, v4;
	v21 =	vsub.f32 v21, v5;
	v16 =	vmul.f32 v16, v16  }
0x195: {  	v19 =	vmul.f32 v19, v19;
	v18 =	vadd.f32 v23, v18;
	v17 =	vadd.f32 v24, v17  }
0x196: {  	v10 =	vmul.f32 v10, v10;
	v15 =	vsub.f32 v15, v4;
	v20 =	vsub.f32 v20, v5  }
0x197: {  	v16 =	vadd.f32 v16, v18;
	v17 =	vadd.f32 v19, v17;
	v18 =	vmul.f32 v21, v21  }
0x198: {  	v12 =	vor.u32 v6, v12;
	v15 =	vmul.f32 v15, v15;
	v23 =	vld.idx.msk [tilespmem:v14+s6+$0x0], $0xffff;
	v14 =	vor.u32 v7, v9  }
0x199: {  	v19 =	vmul.f32 v20, v20;
	v24 =	vld.idx.msk [tilespmem:v13+s6+$0x0], $0xffff;
	v13 =	vadd.f32 v10, v16;
	v17 =	vadd.f32 v18, v17  }
0x19a: {  	s8 =	sadd.s32 $0x3, s7;
	v20 =	vmov s7;
	v10 =	vld.idx.msk [tilespmem:v11+s6+$0x0], $0xffff;
	v11 =	vor.u32 v6, v9  }
0x19b: {  	s9 =	sadd.s32 $0x1, s7;
	s10 =	sadd.s32 $0x2, s7;
	v9 =	vmov s8;
	v16 =	vld.idx.msk [tilespmem:v25+s6+$0x0], $0xffff;
	v18 =	vadd.f32 v15, v13;
	v17 =	vadd.f32 v19, v17  }
.Ltmp7:
0x19c: {  	v13 =	vand.u32 $0xFC, v20;
	v15 =	vmov s9;
	v20 =	vmov s10;
	v19 =	vld.idx.msk [tilespmem:v22+s6+$0x0], $0xffff;
	(pc) =	sbr.rel @p0 .LBB2_13-.Ltmp7, $4  }
0x19d: {  	v9 =	vand.u32 $0xFF, v9;
	v13 =	vbroadcast v13, $0x0;
	v20 =	vand.u32 $0xFE, v20;
	v21 =	vld.idx.msk [tilespmem:v12+s6+$0x0], $0xffff  }
0x19e: {  	v22 =	vand.u32 $0xFD, v15;
	v9 =	vbroadcast v9, $0x0;
	v12 =	vbroadcast v20, $0x0;
	v15 =	vld.idx.msk [tilespmem:v14+s6+$0x0], $0xffff  }
0x19f: {  	v22 =	vbroadcast v22, $0x0;
	v14 =	vor.u32 v7, v13;
	v13 =	vor.u32 v6, v13;
	v20 =	vld.idx.msk [tilespmem:v11+s6+$0x0], $0xffff  }
0x1a0: {  	s7 =	sadd.s32 $0x4, s7;
	v23 =	vsub.f32 v23, v4;
	v24 =	vsub.f32 v24, v5;
	v11 =	vor.u32 v7, v12  }
0x1a1: {  	_ =	sdelay $0x1  }
0x1a2: {  	v25 =	vor.u32 v7, v22;
	v16 =	vsub.f32 v16, v4;
	v19 =	vsub.f32 v19, v5  }
0x1a3: {  	v12 =	vor.u32 v6, v12;
	v23 =	vmul.f32 v23, v23;
	v24 =	vmul.f32 v24, v24  }
0x1a4: {  	v22 =	vor.u32 v6, v22;
	v10 =	vsub.f32 v10, v4;
	v14 =	vld.idx.msk [tilespmem:v14+s6+$0x0], $0xffff;
	v16 =	vmul.f32 v16, v16  }
0x1a5: {  	v13 =	vld.idx.msk [tilespmem:v13+s6+$0x0], $0xffff;
	v19 =	vmul.f32 v19, v19;
	v18 =	vadd.f32 v23, v18;
	v17 =	vadd.f32 v24, v17  }
0x1a6: {  	v11 =	vld.idx.msk [tilespmem:v11+s6+$0x0], $0xffff;
	v21 =	vsub.f32 v21, v5  }
0x1a7: {  	v10 =	vmul.f32 v10, v10;
	v16 =	vadd.f32 v16, v18;
	v17 =	vadd.f32 v19, v17;
	v19 =	vld.idx.msk [tilespmem:v25+s6+$0x0], $0xffff  }
0x1a8: {  	v15 =	vsub.f32 v15, v4;
	v18 =	vor.u32 v7, v9;
	v12 =	vld.idx.msk [tilespmem:v12+s6+$0x0], $0xffff  }
0x1a9: {  	v20 =	vsub.f32 v20, v5;
	v21 =	vmul.f32 v21, v21;
	v10 =	vadd.f32 v10, v16;
	v16 =	vld.idx.msk [tilespmem:v22+s6+$0x0], $0xffff  }
0x1aa: {  	v15 =	vmul.f32 v15, v15;
	v9 =	vor.u32 v6, v9;
	v14 =	vsub.f32 v14, v4  }
0x1ab: {  	v20 =	vmul.f32 v20, v20;
	v13 =	vsub.f32 v13, v5;
	v17 =	vadd.f32 v21, v17  }
0x1ac: {  	v11 =	vsub.f32 v11, v4;
	v14 =	vmul.f32 v14, v14;
	v10 =	vadd.f32 v15, v10  }
0x1ad: {  	v13 =	vmul.f32 v13, v13;
	v17 =	vadd.f32 v20, v17;
	v15 =	vld.idx.msk [tilespmem:v18+s6+$0x0], $0xffff;
	v18 =	vsub.f32 v19, v4  }
0x1ae: {  	s7 =	simm.s32 $0x101;
	v11 =	vmul.f32 v11, v11;
	v12 =	vsub.f32 v12, v5;
	v16 =	vsub.f32 v16, v5  }
0x1af: {  	s25 =	simm.s32 $0x100;
	v10 =	vadd.f32 v14, v10;
	v13 =	vadd.f32 v13, v17;
	v17 =	vmov s7  }
0x1b0: {  	v9 =	vld.idx.msk [tilespmem:v9+s6+$0x0], $0xffff;
	v18 =	vmul.f32 v18, v18;
	v14 =	vmul.f32 v16, v16;
	v16 =	vmov s25  }
0x1b1: {  	s26 =	simm.s32 $0x102;
	v12 =	vmul.f32 v12, v12;
	v17 =	vand.u32 $0x1FD, v17;
	v16 =	vand.u32 $0x1FC, v16  }
0x1b2: {  	v13 =	vadd.f32 v14, v13;
	v14 =	vmov s26;
	v16 =	vbroadcast v16, $0x0  }
0x1b3: {  	v17 =	vbroadcast v17, $0x0;
	v10 =	vadd.f32 v18, v10;
	v14 =	vand.u32 $0x1FE, v14  }
0x1b4: {  	v15 =	vsub.f32 v15, v4;
	v14 =	vbroadcast v14, $0x0;
	v18 =	vor.u32 v7, v16  }
0x1b5: {  	s28 =	simm.s32 $0x103;
	v9 =	vsub.f32 v9, v5;
	v10 =	vadd.f32 v11, v10;
	v16 =	vor.u32 v6, v16  }
0x1b6: {  	v11 =	vmov s28;
	v15 =	vmul.f32 v15, v15;
	v19 =	vor.u32 v7, v14  }
0x1b7: {  	v11 =	vand.u32 $0x1FF, v11;
	v12 =	vadd.f32 v12, v13;
	v13 =	vor.u32 v7, v17  }
0x1b8: {  	s31 =	simm.s32 $0x105;
	s6 =	simm.s32 $0x3A20;
	v20 =	vmul.f32 v9, v9;
	v11 =	vbroadcast v11, $0x0;
	v17 =	vor.u32 v6, v17  }
0x1b9: {  	v23 =	vmov s31;
	v9 =	vadd.f32 v15, v10;
	v15 =	vor.u32 v6, v14;
	v24 =	vld.idx.msk [tilespmem:v18+s6+$0x0], $0xffff  }
0x1ba: {  	s29 =	simm.s32 $0x104;
	v23 =	vand.u32 $0x1FD, v23;
	v10 =	vadd.f32 v20, v12;
	v20 =	vor.u32 v7, v11;
	v25 =	vld.idx.msk [tilespmem:v16+s6+$0x0], $0xffff  }
0x1bb: {  	s30 =	simm.s32 $0x106;
	s8 =	simm.s32 $0x107;
	v23 =	vbroadcast v23, $0x0;
	v14 =	vmov s29;
	v12 =	vld.idx.msk [tilespmem:v19+s6+$0x0], $0xffff;
	v19 =	vor.u32 v6, v11  }
0x1bc: {  	v16 =	vmov s8;
	v18 =	vld.idx.msk [tilespmem:v13+s6+$0x0], $0xffff;
	v11 =	vand.u32 $0x1FC, v14;
	v14 =	vmov s30  }
0x1bd: {  	v21 =	vld.idx.msk [tilespmem:v17+s6+$0x0], $0xffff;
	v16 =	vand.u32 $0x1FF, v16;
	v13 =	vbroadcast v11, $0x0;
	v11 =	vand.u32 $0x1FE, v14  }
0x1be: {  	v22 =	vld.idx.msk [tilespmem:v15+s6+$0x0], $0xffff;
	v14 =	vbroadcast v11, $0x0;
	v11 =	vbroadcast v16, $0x0  }
0x1bf: {  	v16 =	vld.idx.msk [tilespmem:v20+s6+$0x0], $0xffff;
	v17 =	vor.u32 v7, v13;
	v15 =	vor.u32 v6, v13;
	v24 =	vsub.f32 v24, v4  }
0x1c0: {  	s7 =	simm.s32 $0x108;
	v25 =	vsub.f32 v25, v5;
	v13 =	vor.u32 v7, v14;
	v20 =	vld.idx.msk [tilespmem:v19+s6+$0x0], $0xffff;
	v19 =	vimm.f32 $0.0e+00  }
.LBB2_15:
0x1c1: {  	p0 =	slt.u32 s7, $0x1FC;
	v26 =	vor.u32 v7, v23;
	v23 =	vor.u32 v6, v23;
	v18 =	vsub.f32 v18, v4  }
0x1c2: {  	v21 =	vsub.f32 v21, v5;
	v24 =	vmul.f32 v24, v24;
	v25 =	vmul.f32 v25, v25  }
0x1c3: {  	v12 =	vsub.f32 v12, v4;
	v22 =	vsub.f32 v22, v5;
	v18 =	vmul.f32 v18, v18  }
0x1c4: {  	v21 =	vmul.f32 v21, v21;
	v8 =	vadd.f32 v24, v8;
	v19 =	vadd.f32 v25, v19  }
0x1c5: {  	v12 =	vmul.f32 v12, v12;
	v16 =	vsub.f32 v16, v4;
	v20 =	vsub.f32 v20, v5  }
0x1c6: {  	v8 =	vadd.f32 v18, v8;
	v18 =	vadd.f32 v21, v19;
	v19 =	vmul.f32 v22, v22  }
0x1c7: {  	v14 =	vor.u32 v6, v14;
	v16 =	vmul.f32 v16, v16;
	v24 =	vld.idx.msk [tilespmem:v17+s6+$0x0], $0xffff;
	v17 =	vor.u32 v7, v11  }
0x1c8: {  	v25 =	vld.idx.msk [tilespmem:v15+s6+$0x0], $0xffff;
	v8 =	vadd.f32 v12, v8;
	v15 =	vadd.f32 v19, v18;
	v19 =	vmul.f32 v20, v20  }
0x1c9: {  	s8 =	sadd.s32 $0x3, s7;
	v20 =	vmov s7;
	v12 =	vld.idx.msk [tilespmem:v13+s6+$0x0], $0xffff;
	v13 =	vor.u32 v6, v11  }
0x1ca: {  	s9 =	sadd.s32 $0x1, s7;
	s10 =	sadd.s32 $0x2, s7;
	v11 =	vmov s8;
	v18 =	vld.idx.msk [tilespmem:v26+s6+$0x0], $0xffff;
	v8 =	vadd.f32 v16, v8;
	v19 =	vadd.f32 v19, v15  }
.Ltmp8:
0x1cb: {  	v15 =	vand.u32 $0x1FC, v20;
	v16 =	vmov s9;
	v20 =	vmov s10;
	v21 =	vld.idx.msk [tilespmem:v23+s6+$0x0], $0xffff;
	(pc) =	sbr.rel @p0 .LBB2_15-.Ltmp8, $4  }
0x1cc: {  	v11 =	vand.u32 $0x1FF, v11;
	v15 =	vbroadcast v15, $0x0;
	v20 =	vand.u32 $0x1FE, v20;
	v22 =	vld.idx.msk [tilespmem:v14+s6+$0x0], $0xffff  }
0x1cd: {  	v23 =	vand.u32 $0x1FD, v16;
	v11 =	vbroadcast v11, $0x0;
	v14 =	vbroadcast v20, $0x0;
	v16 =	vld.idx.msk [tilespmem:v17+s6+$0x0], $0xffff  }
0x1ce: {  	v23 =	vbroadcast v23, $0x0;
	v17 =	vor.u32 v7, v15;
	v15 =	vor.u32 v6, v15;
	v20 =	vld.idx.msk [tilespmem:v13+s6+$0x0], $0xffff  }
0x1cf: {  	s7 =	sadd.s32 $0x4, s7;
	v24 =	vsub.f32 v24, v4;
	v25 =	vsub.f32 v25, v5;
	v13 =	vor.u32 v7, v14  }
0x1d0: {  	_ =	sdelay $0x1  }
0x1d1: {  	v26 =	vor.u32 v7, v23;
	v48 =	vor.u32 v6, v23;
	v18 =	vsub.f32 v18, v4  }
0x1d2: {  	v21 =	vsub.f32 v21, v5;
	v12 =	vsub.f32 v12, v4;
	v14 =	vor.u32 v6, v14  }
0x1d3: {  	v17 =	vld.idx.msk [tilespmem:v17+s6+$0x0], $0xffff;
	v49 =	vor.u32 v7, v11;
	v24 =	vmul.f32 v24, v24;
	v25 =	vmul.f32 v25, v25  }
0x1d4: {  	v15 =	vld.idx.msk [tilespmem:v15+s6+$0x0], $0xffff;
	v50 =	vor.u32 v6, v11;
	v22 =	vsub.f32 v22, v5;
	v18 =	vmul.f32 v18, v18  }
0x1d5: {  	v13 =	vld.idx.msk [tilespmem:v13+s6+$0x0], $0xffff;
	v21 =	vmul.f32 v21, v21;
	v8 =	vadd.f32 v24, v8;
	v19 =	vadd.f32 v25, v19  }
0x1d6: {  	v12 =	vmul.f32 v12, v12;
	v16 =	vsub.f32 v16, v4;
	v51 =	vsub.f32 v20, v5;
	v53 =	vld.idx.msk [tilespmem:v26+s6+$0x0], $0xffff  }
0x1d7: {  	v54 =	vmul.f32 v22, v22;
	v8 =	vadd.f32 v18, v8;
	v52 =	vadd.f32 v21, v19;
	v55 =	vld.idx.msk [tilespmem:v48+s6+$0x0], $0xffff  }
0x1d8: {  	v16 =	vmul.f32 v16, v16;
	v14 =	vld.idx.msk [tilespmem:v14+s6+$0x0], $0xffff;
	v56 =	vsub.f32 v17, v4  }
0x1d9: {  	v11 =	vmul.f32 v51, v51;
	v7 =	vld.idx.msk [tilespmem:v49+s6+$0x0], $0xffff;
	v8 =	vadd.f32 v12, v8;
	v18 =	vadd.f32 v54, v52  }
0x1da: {  	v6 =	vld.idx.msk [tilespmem:v50+s6+$0x0], $0xffff;
	v15 =	vsub.f32 v15, v5;
	v13 =	vsub.f32 v13, v4  }
0x1db: {  	v8 =	vadd.f32 v16, v8;
	v11 =	vadd.f32 v11, v18;
	v16 =	vmul.f32 v56, v56  }
0x1dc: {  	v15 =	vmul.f32 v15, v15;
	v57 =	vsub.f32 v53, v4;
	v12 =	vsub.f32 v55, v5  }
0x1dd: {  	v14 =	vsub.f32 v14, v5;
	v8 =	vadd.f32 v16, v8  }
0x1de: {  	v11 =	vadd.f32 v15, v11;
	v17 =	vmul.f32 v57, v57;
	v12 =	vmul.f32 v12, v12  }
0x1df: {  	v13 =	vmul.f32 v13, v13;
	v58 =	vsub.f32 v7, v4;
	v59 =	vsub.f32 v6, v5  }
0x1e0: {  	v62 =	vmul.f32 v14, v14;
	v60 =	vadd.f32 v17, v8;
	v61 =	vadd.f32 v12, v11  }
0x1e1: {  	v4 =	vmul.f32 v58, v58  }
0x1e2: {  	v5 =	vmul.f32 v59, v59;
	v6 =	vadd.f32 v13, v60;
	v7 =	vadd.f32 v62, v61;
	_ =	sdelay $0x1  }
0x1e3: {  	v4 =	vadd.f32 v4, v6;
	v5 =	vadd.f32 v5, v7  }
0x1e4: {  	v63 =	vld [tilespmem:$0x1FFC0]  }
0x1e5: {  	v4 =	vadd.f32 v4, v9;
	v5 =	vadd.f32 v5, v10;
	_ =	sdelay $0x1  }
0x1e6: {  	vm1 =	vlt.s32 v3, v0;
	vm0 =	veq.f32 v5, v4  }
0x1e7: {  	vm2 =	vlt.f32 v5, v4;
	vm0 =	vmand vm1, vm0  }
0x1e8: {  	vm15 =	vnez.u8 v63;
	vm0 =	vmor vm2, vm0  }
0x1e9: {  	vm0 =	vmand vm15, vm0  }
0x1ea: {  	v0 =	vsel vm0, v3, v0  }
0x1eb: {  	[tilespmem:$0x3A10] =	vst v0  }
.LBB2_17:
0x1ec: {  	s6 =	simm.s32 $0x0  }
0x1ed: {  	v4 =	vmov s6  }
0x1ee: {  	v5 =	vshll.u32 v4, $0x6  }
0x1ef: {  	v6 =	vadd.s32 v1, v5  }
0x1f0: {  	s7 =	simm.s32 $0x3  }
0x1f1: {  	_ =	swait.ge [sflag:s7], $0x1000  }
0x1f2: {  	[sflag:s7] =	ssyncset.done $0x0  }
0x1f3: {  	s8 =	simm.s32 $0x1000;
	v3 =	vlaneseq.u32;
	v7 =	vshll.u32 v4, $0x5;
	[sflag:s7] =	ssyncadd.s32 $0xFFFFF000  }
0x1f4: {  	v8 =	vor.u32 v3, v7;
	v6 =	vld.idx.msk [tilespmem:v6+s8+$0x0], $0xffff  }
0x1f5: {  	v5 =	vadd.s32 v0, v5;
	_ =	sdelay $0x2  }
0x1f6: {  	s9 =	simm.s32 $0x1;
	s7 =	simm.s32 $0x2000  }
0x1f7: {  	v9 =	vmov s9;
	v4 =	vor.u32 $0x10, v3;
	[tilespmem:v8+s7+$0x0] =	vst.idx.msk $0xffff, v6  }
0x1f8: {  	v7 =	vor.u32 v4, v7;
	v10 =	vld.idx.msk [tilespmem:v5+s8+$0x0], $0xffff;
	v5 =	vshll.u32 v9, $0x6  }
0x1f9: {  	v11 =	vadd.s32 v1, v5;
	_ =	sdelay $0x3  }
0x1fa: {  	v8 =	vld.idx.msk [tilespmem:v8+s6+$0x0], $0xffff;
	v9 =	vshll.u32 v9, $0x5;
	[tilespmem:v7+s7+$0x0] =	vst.idx.msk $0xffff, v10  }
0x1fb: {  	v12 =	vor.u32 v3, v9;
	v11 =	vld.idx.msk [tilespmem:v11+s8+$0x0], $0xffff  }
0x1fc: {  	v5 =	vadd.s32 v0, v5;
	_ =	sdelay $0x2  }
0x1fd: {  	s31 =	simm.s32 $0x2  }
0x1fe: {  	v13 =	vld.idx.msk [tilespmem:v7+s6+$0x0], $0xffff;
	v7 =	vmov s31;
	[tilespmem:v12+s7+$0x0] =	vst.idx.msk $0xffff, v11  }
0x1ff: {  	v16 =	vor.u32 v4, v9;
	v17 =	vshll.u32 v7, $0x6;
	v15 =	vld.idx.msk [tilespmem:v5+s8+$0x0], $0xffff  }
0x200: {  	v14 =	vadd.s32 v1, v17;
	_ =	sdelay $0x1  }
0x201: {  	v18 =	vmul.f32 v10, v10;
	v20 =	vmul.f32 v8, v8;
	v21 =	vshll.u32 v7, $0x5  }
0x202: {  	v7 =	vadd.f32 v8, v2;
	v5 =	vmul.f32 v6, v6;
	v6 =	vadd.f32 v6, v2;
	v12 =	vld.idx.msk [tilespmem:v12+s6+$0x0], $0xffff  }
0x203: {  	v8 =	vadd.f32 v18, v2;
	v19 =	vmul.f32 v11, v11;
	[tilespmem:v16+s7+$0x0] =	vst.idx.msk $0xffff, v15  }
0x204: {  	v9 =	vadd.f32 v5, v2;
	v5 =	vadd.f32 v11, v6;
	v11 =	vld.idx.msk [tilespmem:v14+s8+$0x0], $0xffff;
	v14 =	vor.u32 v3, v21  }
0x205: {  	v63 =	vadd.f32 v13, v2;
	v6 =	vadd.f32 v10, v2;
	v18 =	vld.idx.msk [tilespmem:v16+s6+$0x0], $0xffff;
	v16 =	vadd.s32 v0, v17  }
0x206: {  	v9 =	vadd.f32 v19, v9;
	v19 =	vmul.f32 v13, v13;
	v10 =	vmul.f32 v15, v15  }
0x207: {  	v6 =	vadd.f32 v15, v6;
	v15 =	vadd.f32 v20, v2;
	v17 =	vmul.f32 v12, v12  }
0x208: {  	v7 =	vadd.f32 v12, v7;
	v12 =	vor.u32 v4, v21;
	v10 =	vadd.f32 v10, v8  }
0x209: {  	s10 =	simm.s32 $0x3;
	v8 =	vadd.f32 v17, v15;
	v15 =	vadd.f32 v19, v2;
	[tilespmem:v14+s7+$0x0] =	vst.idx.msk $0xffff, v11  }
0x20a: {  	s9 =	simm.s32 $0x4;
	v2 =	vadd.f32 v18, v63;
	v17 =	vmul.f32 v18, v18;
	v13 =	vld.idx.msk [tilespmem:v16+s8+$0x0], $0xffff;
	v16 =	vmov s10  }
.LBB2_18:
0x20b: {  	p0 =	slt.u32 s9, $0x3E;
	v18 =	vshll.u32 v16, $0x6;
	s10 =	smov.u32 s9;
	s9 =	sadd.s32 $0x2, s9  }
0x20c: {  	v19 =	vadd.s32 v1, v18;
	v15 =	vadd.f32 v17, v15;
	_ =	sdelay $0x2  }
0x20d: {  	v14 =	vld.idx.msk [tilespmem:v14+s6+$0x0], $0xffff  }
0x20e: {  	v17 =	vmul.f32 v13, v13;
	[tilespmem:v12+s7+$0x0] =	vst.idx.msk $0xffff, v13  }
0x20f: {  	v16 =	vshll.u32 v16, $0x5;
	v19 =	vld.idx.msk [tilespmem:v19+s8+$0x0], $0xffff  }
0x210: {  	v20 =	vor.u32 v3, v16  }
0x211: {  	v18 =	vadd.s32 v0, v18  }
0x212: {  	v21 =	vmul.f32 v11, v11  }
0x213: {  	v5 =	vadd.f32 v11, v5;
	v22 =	vmul.f32 v14, v14  }
0x214: {  	v9 =	vadd.f32 v21, v9;
	v21 =	vld.idx.msk [tilespmem:v12+s6+$0x0], $0xffff  }
0x215: {  	v5 =	vadd.f32 v19, v5;
	v11 =	vmul.f32 v19, v19;
	[tilespmem:v20+s7+$0x0] =	vst.idx.msk $0xffff, v19  }
0x216: {  	v16 =	vor.u32 v4, v16;
	v12 =	vmov s10;
	v18 =	vld.idx.msk [tilespmem:v18+s8+$0x0], $0xffff  }
0x217: {  	v19 =	vshll.u32 v12, $0x6;
	v23 =	vshll.u32 v12, $0x5;
	v9 =	vadd.f32 v11, v9;
	v20 =	vld.idx.msk [tilespmem:v20+s6+$0x0], $0xffff  }
0x218: {  	v11 =	vadd.s32 v1, v19;
	v12 =	vor.u32 v4, v23;
	_ =	sdelay $0x1  }
0x219: {  	v6 =	vadd.f32 v13, v6  }
0x21a: {  	v10 =	vadd.f32 v17, v10;
	v7 =	vadd.f32 v14, v7  }
0x21b: {  	v6 =	vadd.f32 v18, v6;
	v13 =	vmul.f32 v18, v18;
	[tilespmem:v16+s7+$0x0] =	vst.idx.msk $0xffff, v18  }
0x21c: {  	v8 =	vadd.f32 v22, v8;
	v7 =	vadd.f32 v20, v7;
	v17 =	vmul.f32 v20, v20;
	v11 =	vld.idx.msk [tilespmem:v11+s8+$0x0], $0xffff  }
0x21d: {  	v14 =	vor.u32 v3, v23;
	v10 =	vadd.f32 v13, v10;
	v18 =	vld.idx.msk [tilespmem:v16+s6+$0x0], $0xffff  }
0x21e: {  	v13 =	vadd.s32 v0, v19;
	v8 =	vadd.f32 v17, v8  }
.Ltmp9:
0x21f: {  	(pc) =	sbr.rel @p0 .LBB2_18-.Ltmp9, $4  }
0x220: {  	v16 =	vmul.f32 v21, v21  }
0x221: {  	v2 =	vadd.f32 v21, v2  }
0x222: {  	s10 =	sadd.s32 $0x1, s10;
	v15 =	vadd.f32 v16, v15;
	[tilespmem:v14+s7+$0x0] =	vst.idx.msk $0xffff, v11  }
0x223: {  	v16 =	vmov s10;
	v2 =	vadd.f32 v18, v2;
	v17 =	vmul.f32 v18, v18;
	v13 =	vld.idx.msk [tilespmem:v13+s8+$0x0], $0xffff  }
0x224: {  	v18 =	vshll.u32 v16, $0x6  }
0x225: {  	v1 =	vadd.s32 v1, v18;
	_ =	sdelay $0x3  }
0x226: {  	v14 =	vld.idx.msk [tilespmem:v14+s6+$0x0], $0xffff;
	v53 =	vshll.u32 v16, $0x5;
	[tilespmem:v12+s7+$0x0] =	vst.idx.msk $0xffff, v13  }
0x227: {  	v3 =	vor.u32 v3, v53;
	v1 =	vld.idx.msk [tilespmem:v1+s8+$0x0], $0xffff  }
0x228: {  	v0 =	vadd.s32 v0, v18;
	_ =	sdelay $0x3  }
0x229: {  	v12 =	vld.idx.msk [tilespmem:v12+s6+$0x0], $0xffff;
	[tilespmem:v3+s7+$0x0] =	vst.idx.msk $0xffff, v1  }
0x22a: {  	v4 =	vor.u32 v4, v53;
	v0 =	vld.idx.msk [tilespmem:v0+s8+$0x0], $0xffff  }
0x22b: {  	v54 =	vmul.f32 v11, v11  }
0x22c: {  	v5 =	vadd.f32 v11, v5;
	v15 =	vadd.f32 v17, v15;
	v56 =	vmul.f32 v13, v13  }
0x22d: {  	v9 =	vadd.f32 v54, v9;
	v57 =	vadd.f32 v13, v6;
	v58 =	vmul.f32 v14, v14;
	v3 =	vld.idx.msk [tilespmem:v3+s6+$0x0], $0xffff  }
0x22e: {  	v7 =	vadd.f32 v14, v7;
	v10 =	vadd.f32 v56, v10  }
0x22f: {  	v6 =	vadd.f32 v58, v8;
	v55 =	vmul.f32 v1, v1;
	[tilespmem:v4+s7+$0x0] =	vst.idx.msk $0xffff, v0  }
0x230: {  	v2 =	vadd.f32 v12, v2;
	v1 =	vadd.f32 v1, v5;
	v4 =	vld.idx.msk [tilespmem:v4+s6+$0x0], $0xffff  }
0x231: {  	v9 =	vadd.f32 v55, v9;
	v5 =	vadd.f32 v0, v57;
	v0 =	vmul.f32 v0, v0  }
0x232: {  	s28 =	simm.s32 $0x20;
	s29 =	simm.s32 $0x200;
	s30 =	simm.s32 $0x2000;
	v1 =	vadd.f32 v1, v1;
	v7 =	vadd.f32 v3, v7;
	v3 =	vmul.f32 v3, v3  }
0x233: {  	v9 =	vmul.f32 $6.400000000e+01, v9;
	[hbm4b:s5+s28] =	stream.strided.scatter [tilespmem:s30], [sflag:$0x4], $0x800, s29, s28, $0x38;
	v59 =	vadd.f32 v0, v10;
	v0 =	vmul.f32 v12, v12;
	[tilespmem:$0xBB20] =	vst v63  }
0x234: {  	s5 =	simm.s32 $0x4;
	v3 =	vadd.f32 v3, v6;
	v1 =	vmul.f32 v7, v1;
	v61 =	vadd.f32 v5, v5  }
0x235: {  	_ =	swait.ge [sflag:s5], $0x800;
	v0 =	vadd.f32 v0, v15;
	v60 =	vmul.f32 v4, v4;
	v2 =	vadd.f32 v4, v2  }
0x236: {  	[sflag:s5] =	ssyncset.done $0x0;
	v1 =	vsub.f32 v9, v1;
	v3 =	vmul.f32 $6.400000000e+01, v3;
	v63 =	vmul.f32 $6.400000000e+01, v59  }
0x237: {  	[sflag:s5] =	ssyncadd.s32 $0xFFFFF800;
	v62 =	vadd.f32 v60, v0;
	v0 =	vimm.f32 $0.0e+00;
	v2 =	vmul.f32 v2, v61  }
0x238: {  	[tilespmem:$0x3110] =	vst v0  }
0x239: {  	v1 =	vadd.f32 v3, v1;
	[tilespmem:$0x3120] =	vst v0;
	v2 =	vsub.f32 v63, v2;
	v3 =	vmul.f32 $6.400000000e+01, v62  }
0x23a: {  	[tilespmem:$0x3130] =	vst v0  }
0x23b: {  	v1 =	vadd.f32 $0.0e+00, v1;
	[tilespmem:$0x3140] =	vst v0;
	v2 =	vadd.f32 v3, v2  }
0x23c: {  	[tilespmem:$0x3150] =	vst v0  }
0x23d: {  	[tilespmem:$0x3160] =	vst v0;
	v1 =	vadd.f32 v2, v1  }
0x23e: {  	[tilespmem:$0x3170] =	vst v0  }
0x23f: {  	s31 =	simm.s32 $0x3100;
	p0 =	sne.s32 s2, $0x0;
	[tilespmem:$0x3100] =	vst v1  }
0x240: {  	[spmem:s4] =	stream.linear.scatter [tilespmem:s31], [sflag:$0x4], $0x80, $0x38;
	[tilespmem:$0xBB20] =	vst v63  }
.Ltmp10:
0x241: {  	_ =	swait.ge [sflag:s5], $0x80;
	(pc) =	sbr.rel @p0 .LBB2_23-.Ltmp10, $3  }
0x242: {  	[sflag:s5] =	ssyncset.done $0x0  }
0x243: {  	[sflag:s5] =	ssyncadd.s32 $0xFFFFFF80  }
0x244: {  	[bflag:$0x0] =	sbarrier.arrive $0xFFFF;
	_ =	sdelay $0x1  }
0x245: {  	v1 =	vlaneseq.u32;
	s6 =	simm.s32 $0x0  }
0x246: {  	s4 =	simm.s32 $0x3180;
	s29 =	simm.s32 $0x80;
	v2 =	vor.u32 s6, v1  }
0x247: {  	[tilespmem:s4], [sflag:$0x4] =	stream.linear.gather [spmem:s3], $0x800, $0x38;
	[tilespmem:$0xBB20] =	vst v63  }
0x248: {  	s30 =	simm.s32 $0x100;
	v3 =	vor.u32 s29, v1;
	_ =	swait.ge [sflag:s5], $0x800  }
0x249: {  	v5 =	vor.u32 s30, v1;
	[sflag:s5] =	ssyncset.done $0x0  }
0x24a: {  	s31 =	simm.s32 $0x180;
	[sflag:s5] =	ssyncadd.s32 $0xFFFFF800  }
0x24b: {  	v4 =	vor.u32 s31, v1;
	v2 =	vld.idx.msk [tilespmem:v2+s4+$0x0], $0xffff;
	_ =	sdelay $0x1  }
0x24c: {  	s3 =	simm.s32 $0x200;
	s5 =	simm.s32 $0x8;
	v3 =	vld.idx.msk [tilespmem:v3+s4+$0x0], $0xffff  }
.LBB2_21:
0x24d: {  	p0 =	slt.u32 s5, $0xC;
	v6 =	vor.u32 s3, v1;
	v7 =	vld.idx.msk [tilespmem:v5+s4+$0x0], $0xffff  }
0x24e: {  	s6 =	sadd.s32 $0x80, s3  }
0x24f: {  	v8 =	vor.u32 s6, v1;
	v0 =	vadd.f32 v2, v0;
	v9 =	vld.idx.msk [tilespmem:v4+s4+$0x0], $0xffff  }
0x250: {  	s6 =	sadd.s32 $0x100, s3  }
.Ltmp11:
0x251: {  	v5 =	vor.u32 s6, v1;
	v0 =	vadd.f32 v3, v0;
	(pc) =	sbr.rel @p0 .LBB2_21-.Ltmp11, $4  }
0x252: {  	s3 =	sadd.s32 $0x180, s3;
	v2 =	vld.idx.msk [tilespmem:v6+s4+$0x0], $0xffff  }
0x253: {  	v4 =	vor.u32 s3, v1;
	v0 =	vadd.f32 v7, v0  }
0x254: {  	v3 =	vld.idx.msk [tilespmem:v8+s4+$0x0], $0xffff  }
0x255: {  	s3 =	sshll.u32 s5, $0x7;
	s5 =	sadd.s32 $0x4, s5;
	v0 =	vadd.f32 v9, v0  }
0x256: {  	_ =	sdelay $0x2  }
0x257: {  	v6 =	vor.u32 s3, v1  }
0x258: {  	v5 =	vld.idx.msk [tilespmem:v5+s4+$0x0], $0xffff;
	s5 =	sadd.s32 $0x80, s3  }
0x259: {  	v7 =	vor.u32 s5, v1;
	v0 =	vadd.f32 v2, v0  }
0x25a: {  	v56 =	vld.idx.msk [tilespmem:v4+s4+$0x0], $0xffff;
	s25 =	sadd.s32 $0x100, s3  }
0x25b: {  	v57 =	vor.u32 s25, v1;
	v0 =	vadd.f32 v3, v0  }
0x25c: {  	s26 =	sadd.s32 $0x180, s3;
	v58 =	vld.idx.msk [tilespmem:v6+s4+$0x0], $0xffff  }
0x25d: {  	v59 =	vor.u32 s26, v1;
	v0 =	vadd.f32 v5, v0  }
0x25e: {  	v60 =	vld.idx.msk [tilespmem:v7+s4+$0x0], $0xffff  }
0x25f: {  	v0 =	vadd.f32 v56, v0  }
0x260: {  	v61 =	vld.idx.msk [tilespmem:v57+s4+$0x0], $0xffff  }
0x261: {  	v0 =	vadd.f32 v58, v0  }
0x262: {  	v1 =	vld.idx.msk [tilespmem:v59+s4+$0x0], $0xffff  }
0x263: {  	v0 =	vadd.f32 v60, v0;
	_ =	sdelay $0x1  }
0x264: {  	v0 =	vadd.f32 v61, v0;
	_ =	sdelay $0x1  }
0x265: {  	v0 =	vadd.f32 v1, v0;
	_ =	sdelay $0x1  }
0x266: {  	(xrf2) =	vadd.scan.msk.f32 $0xffff, v0;
	_ =	sdelay $0x9  }
0x267: {  	v0, _, _ =	vpop (xrf2)  }
0x268: {  	(v2sf) =	vpush v0, $0xF;
	_ =	sdelay $0xe  }
0x269: {  	v62 =	vimm.f32 $0.0e+00;
	s28 =	spop (v2sf)  }
0x26a: {  	[tilespmem:$0x3990] =	vst v62;
	s3 =	smul.f32 $9.536743160e-07, s28  }
0x26b: {  	[tilespmem:$0x39A0] =	vst v62  }
0x26c: {  	[tilespmem:$0x39B0] =	vst v62;
	v63 =	vmov s3  }
0x26d: {  	[tilespmem:$0x39C0] =	vst v62;
	v1 =	vadd.f32 $0.0e+00, v63  }
0x26e: {  	[tilespmem:$0x39D0] =	vst v62  }
0x26f: {  	[tilespmem:$0x39E0] =	vst v62;
	v1 =	vbroadcast v1, $0x0  }
0x270: {  	[tilespmem:$0x39F0] =	vst v62  }
0x271: {  	s29 =	simm.s32 $0x0;
	s30 =	simm.s32 $0x3980;
	s31 =	simm.s32 $0x4;
	[tilespmem:$0x3980] =	vst v1  }
0x272: {  	[hbm4b:s1+s29] =	stream.linear.scatter [tilespmem:s30], [sflag:$0x4], $0x80, $0x38;
	[tilespmem:$0xBB20] =	vst v63  }
0x273: {  	_ =	swait.ge [sflag:s31], $0x80  }
0x274: {  	[sflag:s31] =	ssyncset.done $0x0  }
0x275: {  	[sflag:s31] =	ssyncadd.s32 $0xFFFFFF80  }
.LBB2_23:
0x276: {  	_ =	sfence.sel $0x180000  }
0x277: {  	[bflag:$0x0] =	sbarrier.arrive $0xFFFF  }
0x278: {  	p0 =	sne.s32 s2, $0x0;
	_ =	strace $0x90000047  }
0x279: {  	s0 =	sadd.s32 @!p0 $0x100000, s0;
	[bflag:$0x2] =	sbarrier.arrive $0xFFFF  }
0x27a: {  	[sflag:s0] =	ssyncadd.tile.s32 @!p0 $0x1;
	_ =	shalt  }
.Lfunc_end2:
_tile_overlayer_lowered:
.L_overlay_start_2:
0x27b: {  	(tag) =	ssettag $0x2  }
0x27c: {  	s0 =	rddreg [dreg:$0x0];
	s2 =	stileid.u32  }
0x27d: {  	s1 =	rddreg [dreg:$0x1];
	p0 =	sne.s32 s2, $0x0  }
0x27e: {  	s3 =	rddreg [dreg:$0x2];
	[bflag:$0x3] =	sbarrier.arrive $0xFFFF;
	s2 =	simm.s32 @!p0 $0x1C04  }
0x27f: {  	[timem:s3], [sflag:s2] =	dma.local @!p0 [hbm:s0], s1  }
0x280: {  	s0 =	simm.s32 @!p0 $0x4  }
0x281: {  	_ =	swait.ge @!p0 [sflag:s0], s1  }
0x282: {  	s1 =	ssub.s32 @!p0 $0x0, s1;
	[sflag:s0] =	ssyncset.done @!p0 $0x0  }
0x283: {  	[sflag:s0] =	ssyncadd.s32 @!p0 s1  }
0x284: {  	[bflag:$0x3] =	sbarrier.arrive $0xFFFF  }
0x285: {  	_ =	shalt  }

</sc_bundles>
